<compile_context>
chip_gen: v7x
topology: tpu7x:2x2x1
jax: 0.10.2.dev20260603
libtpu: 0.0.44.dev20260713+nightly
codegen_flags: <defaults>
</compile_context>

<pallas_src>
import functools

import jax
import jax.numpy as jnp
from jax import lax
from jax.experimental import pallas as pl
from jax.experimental.pallas import tpu as pltpu
from jax.experimental.pallas import tpu_sc as plsc

NC = 2
NS = 16
NW = NC * NS
LANES = 16
KD = 128
KS = 128


def _zero_rows(ref, n_rows, n_cols):
    zeros16 = jnp.zeros((LANES,), jnp.float32)

    @pl.loop(0, n_rows)
    def _(i):
        for j in range(n_cols // LANES):
            ref[i, pl.ds(j * LANES, LANES)] = zeros16


def _fill_1d(ref, n, value):
    vec = jnp.full((LANES,), value, jnp.float32)
    for j in range(n // LANES):
        ref[pl.ds(j * LANES, LANES)] = vec


def _make_deg_kernel(n_chunks, n_pad):
    ch = n_chunks // NW
    rows_per_tile = n_pad // NS
    mesh = plsc.VectorSubcoreMesh(core_axis_name="c", subcore_axis_name="s")

    @functools.partial(
        pl.kernel,
        out_type=jax.ShapeDtypeStruct((NC, n_pad), jnp.float32),
        mesh=mesh,
        scratch_types=[
            pltpu.VMEM((ch, KD), jnp.int32),
            pltpu.VMEM((KD,), jnp.float32),
            pltpu.VMEM((KD,), jnp.float32),
            pltpu.VMEM_SHARED((n_pad,), jnp.float32),
            pltpu.SemaphoreType.DMA,
        ],
    )
    def deg_kernel(dst_hbm, out_hbm, dst2d, ones_v, zero_v, acc_sh, sem):
        c = lax.axis_index("c")
        s = lax.axis_index("s")
        wid = s * NC + c
        _fill_1d(ones_v, KD, 1.0)
        _fill_1d(zero_v, KD, 0.0)
        for j in range(rows_per_tile // KD):
            pltpu.sync_copy(zero_v, acc_sh.at[pl.ds(s * rows_per_tile + j * KD, KD)])
        pltpu.sync_copy(dst_hbm.at[pl.ds(wid * ch, ch)], dst2d)
        plsc.subcore_barrier()

        @pl.loop(0, ch)
        def _(i):
            pltpu.async_copy(ones_v, acc_sh.at[dst2d.at[i]], sem, add=True)

        pltpu.make_async_copy(dst_hbm.at[pl.ds(0, ch)], dst2d, sem).wait()

        plsc.subcore_barrier()
        pltpu.sync_copy(acc_sh.at[pl.ds(s * rows_per_tile, rows_per_tile)],
                        out_hbm.at[c, pl.ds(s * rows_per_tile, rows_per_tile)])

    return deg_kernel


def _make_scatter_kernel(n_chunks, n_pad, d):
    ch = n_chunks // NW
    assert ch % 2 == 0 and ch >= 4
    rows_per_tile = n_pad // NS
    mesh = plsc.VectorSubcoreMesh(core_axis_name="c", subcore_axis_name="s")

    @functools.partial(
        pl.kernel,
        out_type=jax.ShapeDtypeStruct((NC, n_pad, d), jnp.float32),
        mesh=mesh,
        scratch_types=[
            pltpu.VMEM((KS,), jnp.int32),
            pltpu.VMEM((KS,), jnp.int32),
            pltpu.VMEM((KS,), jnp.int32),
            pltpu.VMEM((KS,), jnp.int32),
            pltpu.VMEM((KS, d), jnp.float32),
            pltpu.VMEM((KS, d), jnp.float32),
            pltpu.VMEM_SHARED((n_pad, d), jnp.float32),
            pltpu.SemaphoreType.DMA,
            pltpu.SemaphoreType.DMA,
            pltpu.SemaphoreType.DMA,
            pltpu.SemaphoreType.DMA,
        ],
    )
    def scatter_kernel(hs_hbm, src_hbm, dst_hbm, out_hbm,
                       src_a, dst_a, src_b, dst_b, rows_a, rows_b,
                       acc_sh, sem_ia, sem_ib, sem_ga, sem_gb):
        c = lax.axis_index("c")
        s = lax.axis_index("s")
        wid = s * NC + c
        base = wid * ch

        _zero_rows(rows_a, KS, d)
        for j in range(rows_per_tile // KS):
            pltpu.sync_copy(rows_a, acc_sh.at[pl.ds(s * rows_per_tile + j * KS, KS)])
        plsc.subcore_barrier()

        def start_idx(idx_s, idx_d, sem, i):
            off = (base + i) * KS
            pltpu.async_copy(src_hbm.at[pl.ds(off, KS)], idx_s, sem)
            pltpu.async_copy(dst_hbm.at[pl.ds(off, KS)], idx_d, sem)

        def wait_idx(idx_s, idx_d, sem):
            pltpu.make_async_copy(src_hbm.at[pl.ds(0, KS)], idx_s, sem).wait()
            pltpu.make_async_copy(src_hbm.at[pl.ds(0, KS)], idx_d, sem).wait()

        def start_gather(idx_s, buf, sem):
            pltpu.async_copy(hs_hbm.at[idx_s], buf, sem)

        def wait_gather(idx_s, buf, sem):
            pltpu.make_async_copy(hs_hbm.at[idx_s], buf, sem).wait()

        def scatter(idx_d, buf):
            pltpu.sync_copy(buf, acc_sh.at[idx_d], add=True)

        start_idx(src_a, dst_a, sem_ia, 0)
        start_idx(src_b, dst_b, sem_ib, 1)
        wait_idx(src_a, dst_a, sem_ia)
        start_gather(src_a, rows_a, sem_ga)
        wait_idx(src_b, dst_b, sem_ib)
        start_gather(src_b, rows_b, sem_gb)

        @pl.loop(0, ch // 2 - 1)
        def _(j):
            i0 = 2 * j
            wait_gather(src_a, rows_a, sem_ga)
            scatter(dst_a, rows_a)
            start_idx(src_a, dst_a, sem_ia, i0 + 2)
            wait_gather(src_b, rows_b, sem_gb)
            wait_idx(src_a, dst_a, sem_ia)
            start_gather(src_a, rows_a, sem_ga)
            scatter(dst_b, rows_b)
            start_idx(src_b, dst_b, sem_ib, i0 + 3)
            wait_idx(src_b, dst_b, sem_ib)
            start_gather(src_b, rows_b, sem_gb)

        wait_gather(src_a, rows_a, sem_ga)
        scatter(dst_a, rows_a)
        wait_gather(src_b, rows_b, sem_gb)
        scatter(dst_b, rows_b)

        plsc.subcore_barrier()
        pltpu.sync_copy(acc_sh.at[pl.ds(s * rows_per_tile, rows_per_tile)],
                        out_hbm.at[c, pl.ds(s * rows_per_tile, rows_per_tile)])

    return scatter_kernel


def _dinv_block(degp_ref):
    deg = degp_ref[0, :] + degp_ref[1, :] + 1.0
    return lax.rsqrt(deg)


def _tc_first(x, w1, degp, r, n_pad):
    n, d_in = x.shape
    d_h = w1.shape[1]

    def body(x_ref, w_ref, degp_ref, o_ref):
        h = jnp.dot(x_ref[...], w_ref[...], preferred_element_type=jnp.float32)
        o_ref[...] = h * _dinv_block(degp_ref)[:, None]

    return pl.pallas_call(
        body,
        grid=(n_pad // r,),
        in_specs=[
            pl.BlockSpec((r, d_in), lambda i: (i, 0)),
            pl.BlockSpec((d_in, d_h), lambda i: (0, 0)),
            pl.BlockSpec((NC, r), lambda i: (0, i)),
        ],
        out_specs=pl.BlockSpec((r, d_h), lambda i: (i, 0)),
        out_shape=jax.ShapeDtypeStruct((n_pad, d_h), jnp.float32),
    )(x, w1, degp)


def _tc_mid(s1, hs1, degp, b1, w2, r):
    n_pad, d_h = hs1.shape
    d_o = w2.shape[1]

    def body(s1_ref, hs_ref, degp_ref, b_ref, w_ref, o_ref):
        dinv = _dinv_block(degp_ref)[:, None]
        conv = dinv * (s1_ref[0] + s1_ref[1] + hs_ref[...]) + b_ref[...]
        h = jnp.maximum(conv, 0.0)
        o_ref[...] = jnp.dot(h, w_ref[...], preferred_element_type=jnp.float32) * dinv

    return pl.pallas_call(
        body,
        grid=(n_pad // r,),
        in_specs=[
            pl.BlockSpec((NC, r, d_h), lambda i: (0, i, 0)),
            pl.BlockSpec((r, d_h), lambda i: (i, 0)),
            pl.BlockSpec((NC, r), lambda i: (0, i)),
            pl.BlockSpec((1, d_h), lambda i: (0, 0)),
            pl.BlockSpec((d_h, d_o), lambda i: (0, 0)),
        ],
        out_specs=pl.BlockSpec((r, d_o), lambda i: (i, 0)),
        out_shape=jax.ShapeDtypeStruct((n_pad, d_o), jnp.float32),
    )(s1, hs1, degp, b1, w2)


def _tc_final(s2, hs2, degp, b2, r, n):
    _, d_o = hs2.shape

    def body(s2_ref, hs_ref, degp_ref, b_ref, o_ref):
        dinv = _dinv_block(degp_ref)[:, None]
        conv = dinv * (s2_ref[0] + s2_ref[1] + hs_ref[...]) + b_ref[...]
        o_ref[...] = jnp.maximum(conv, 0.0)

    return pl.pallas_call(
        body,
        grid=(pl.cdiv(n, r),),
        in_specs=[
            pl.BlockSpec((NC, r, d_o), lambda i: (0, i, 0)),
            pl.BlockSpec((r, d_o), lambda i: (i, 0)),
            pl.BlockSpec((NC, r), lambda i: (0, i)),
            pl.BlockSpec((1, d_o), lambda i: (0, 0)),
        ],
        out_specs=pl.BlockSpec((r, d_o), lambda i: (i, 0)),
        out_shape=jax.ShapeDtypeStruct((n, d_o), jnp.float32),
    )(s2, hs2, degp, b2)


def kernel(x, edge_index, W1, b1, W2, b2):
    n, d_in = x.shape
    e_total = edge_index.shape[1]
    d_h = W1.shape[1]
    d_o = W2.shape[1]
    n_pad = ((n + NW * LANES - 1) // (NW * LANES)) * (NW * LANES)

    unit = NW * KD * 8
    e_pad = ((e_total + unit - 1) // unit) * unit
    sentinel = jnp.full((e_pad - e_total,), n_pad - 1, jnp.int32)
    src_flat = jnp.concatenate([edge_index[0].astype(jnp.int32), sentinel])
    dst_flat = jnp.concatenate([edge_index[1].astype(jnp.int32), sentinel])
    b1r = b1.reshape(1, d_h).astype(jnp.float32)
    b2r = b2.reshape(1, d_o).astype(jnp.float32)

    r = 1024

    degp = _make_deg_kernel(e_pad // KD, n_pad)(dst_flat.reshape(-1, KD))
    scat = _make_scatter_kernel(e_pad // KS, n_pad, d_h)
    src = src_flat
    dst = dst_flat

    hs1 = _tc_first(x, W1.astype(jnp.float32), degp, r, n_pad)
    s1 = scat(hs1, src, dst)
    hs2 = _tc_mid(s1, hs1, degp, b1r, W2.astype(jnp.float32), r)
    s2 = scat(hs2, src, dst)
    out = _tc_final(s2, hs2, degp, b2r, r, n)
    return out

# --- scband reference (transcript-rebuilt; emitter-appended) ---
"""Pipeline reference for scband-gcn-69853348102347 (READ-ONLY COPY).

The authoritative reference and input builder live on the scoring server;
editing this copy changes nothing except your own understanding.
"""

import jax, jax.numpy as jnp
import numpy as np

N_NODES = 10000
N_EDGES = 320000
D_IN = 128
D_HID = 128
D_OUT = 128


def setup_inputs(seed: int = 0) -> dict:
    key = jax.random.key(seed)
    k1, k2, k3, k4, k5, k6 = jax.random.split(key, 6)
    x = jax.random.normal(k1, (N_NODES, D_IN), dtype=jnp.float32)
    edge_index = jax.random.randint(k2, (2, N_EDGES), 0, N_NODES, dtype=jnp.int64)
    # Glorot-style init for GCN layer weights
    W1 = jax.random.normal(k3, (D_IN, D_HID), dtype=jnp.float32) * (1.0 / np.sqrt(D_IN))
    b1 = jnp.zeros((D_HID,), dtype=jnp.float32)
    W2 = jax.random.normal(k4, (D_HID, D_OUT), dtype=jnp.float32) * (1.0 / np.sqrt(D_HID))
    b2 = jnp.zeros((D_OUT,), dtype=jnp.float32)
    return {"x": x, "edge_index": edge_index, "W1": W1, "b1": b1, "W2": W2, "b2": b2}


def _gcn_conv(x, edge_index, W, b):
    num_nodes = x.shape[0]
    # add self-loops (PyG GCNConv default add_self_loops=True)
    loop = jnp.arange(num_nodes, dtype=edge_index.dtype)
    src = jnp.concatenate([edge_index[0], loop])
    dst = jnp.concatenate([edge_index[1], loop])
    # linear transform
    h = x @ W
    # symmetric normalization D^{-1/2} (A+I) D^{-1/2}
    deg = jnp.zeros((num_nodes,), dtype=h.dtype).at[dst].add(1.0)
    deg_inv_sqrt = jnp.where(deg > 0, jax.lax.rsqrt(jnp.maximum(deg, 1e-12)), 0.0)
    norm = deg_inv_sqrt[src] * deg_inv_sqrt[dst]
    # gather -> scale -> scatter-add
    msg = h[src] * norm[:, None]
    out = jnp.zeros((num_nodes, h.shape[1]), dtype=h.dtype).at[dst].add(msg)
    return out + b


def reference(x, edge_index, W1, b1, W2, b2):
    h = jax.nn.relu(_gcn_conv(x, edge_index, W1, b1))
    # dropout is identity at inference time
    out = jax.nn.relu(_gcn_conv(h, edge_index, W2, b2))
    return out

if __name__ == "__main__":
    import jax
    _d = setup_inputs()
    print(jax.jit(kernel)(*tuple(_d.values())))

</pallas_src>

<mosaic_0001>
#map = affine_map<(d0, d1) -> (0, 0)>
module attributes {stable_mosaic.version = 14 : i64} {
  func.func @deg_kernel(%arg0: i32, %arg1: i32, %arg2: memref<2560x128xi32, #tpu.memory_space<hbm>>, %arg3: memref<2x10240xf32, #tpu.memory_space<hbm>>, %arg4: memref<80x128xi32, #tpu.memory_space<vmem>>, %arg5: memref<128xf32, #tpu.memory_space<vmem>>, %arg6: memref<128xf32, #tpu.memory_space<vmem>>, %arg7: memref<10240xf32, #tpu.memory_space<vmem_shared>>, %arg8: memref<!tpu.dma_semaphore, #tpu.memory_space<semaphore_mem>>) attributes {dimension_semantics = [#tpu.dimension_semantics<core_parallel>, #tpu.dimension_semantics<subcore_parallel>], iteration_bounds = array<i64: 2, 16>, scalar_prefetch = 0 : i64, scratch_operands = 5 : i64, tpu.core_type = #tpu.core_type<sc_vector_subcore>, window_params = [{transform_indices = #map}, {transform_indices = #map}]} {
    %mul3A = arith.constant 2 : i32
    %mul3A_0 = arith.muli %arg1, %mul3A : i32
    %add3A = arith.addi %mul3A_0, %arg0 : i32
    %broadcast_in_dim3A = arith.constant 1.000000e+00 : f32
    %broadcast_in_dim3A_1 = vector.broadcast %broadcast_in_dim3A : f32 to vector<16xf32>
    %swap3A = arith.constant 0 : index
    %swap3A_2 = tpu.vector_load %arg5[%swap3A] {strides = array<i32>} : memref<128xf32, #tpu.memory_space<vmem>>, vector<16xf32>,
    %swap3A_3 = vector.shape_cast %swap3A_2 : vector<16xf32> to vector<16xf32>
    %swap3A_4 = vector.shape_cast %broadcast_in_dim3A_1 : vector<16xf32> to vector<16xf32>
    tpu.vector_store %arg5[%swap3A], %swap3A_4 {strides = array<i32>} : memref<128xf32, #tpu.memory_space<vmem>>, vector<16xf32>,
    %swap3A_5 = arith.constant 16 : index
    %swap3A_6 = tpu.vector_load %arg5[%swap3A_5] {strides = array<i32>} : memref<128xf32, #tpu.memory_space<vmem>>, vector<16xf32>,
    %swap3A_7 = vector.shape_cast %swap3A_6 : vector<16xf32> to vector<16xf32>
    %swap3A_8 = vector.shape_cast %broadcast_in_dim3A_1 : vector<16xf32> to vector<16xf32>
    tpu.vector_store %arg5[%swap3A_5], %swap3A_8 {strides = array<i32>} : memref<128xf32, #tpu.memory_space<vmem>>, vector<16xf32>,
    %swap3A_9 = arith.constant 32 : index
    %swap3A_10 = tpu.vector_load %arg5[%swap3A_9] {strides = array<i32>} : memref<128xf32, #tpu.memory_space<vmem>>, vector<16xf32>,
    %swap3A_11 = vector.shape_cast %swap3A_10 : vector<16xf32> to vector<16xf32>
    %swap3A_12 = vector.shape_cast %broadcast_in_dim3A_1 : vector<16xf32> to vector<16xf32>
    tpu.vector_store %arg5[%swap3A_9], %swap3A_12 {strides = array<i32>} : memref<128xf32, #tpu.memory_space<vmem>>, vector<16xf32>,
    %swap3A_13 = arith.constant 48 : index
    %swap3A_14 = tpu.vector_load %arg5[%swap3A_13] {strides = array<i32>} : memref<128xf32, #tpu.memory_space<vmem>>, vector<16xf32>,
    %swap3A_15 = vector.shape_cast %swap3A_14 : vector<16xf32> to vector<16xf32>
    %swap3A_16 = vector.shape_cast %broadcast_in_dim3A_1 : vector<16xf32> to vector<16xf32>
    tpu.vector_store %arg5[%swap3A_13], %swap3A_16 {strides = array<i32>} : memref<128xf32, #tpu.memory_space<vmem>>, vector<16xf32>,
    %swap3A_17 = arith.constant 64 : index
    %swap3A_18 = tpu.vector_load %arg5[%swap3A_17] {strides = array<i32>} : memref<128xf32, #tpu.memory_space<vmem>>, vector<16xf32>,
    %swap3A_19 = vector.shape_cast %swap3A_18 : vector<16xf32> to vector<16xf32>
    %swap3A_20 = vector.shape_cast %broadcast_in_dim3A_1 : vector<16xf32> to vector<16xf32>
    tpu.vector_store %arg5[%swap3A_17], %swap3A_20 {strides = array<i32>} : memref<128xf32, #tpu.memory_space<vmem>>, vector<16xf32>,
    %swap3A_21 = arith.constant 80 : index
    %swap3A_22 = tpu.vector_load %arg5[%swap3A_21] {strides = array<i32>} : memref<128xf32, #tpu.memory_space<vmem>>, vector<16xf32>,
    %swap3A_23 = vector.shape_cast %swap3A_22 : vector<16xf32> to vector<16xf32>
    %swap3A_24 = vector.shape_cast %broadcast_in_dim3A_1 : vector<16xf32> to vector<16xf32>
    tpu.vector_store %arg5[%swap3A_21], %swap3A_24 {strides = array<i32>} : memref<128xf32, #tpu.memory_space<vmem>>, vector<16xf32>,
    %swap3A_25 = arith.constant 96 : index
    %swap3A_26 = tpu.vector_load %arg5[%swap3A_25] {strides = array<i32>} : memref<128xf32, #tpu.memory_space<vmem>>, vector<16xf32>,
    %swap3A_27 = vector.shape_cast %swap3A_26 : vector<16xf32> to vector<16xf32>
    %swap3A_28 = vector.shape_cast %broadcast_in_dim3A_1 : vector<16xf32> to vector<16xf32>
    tpu.vector_store %arg5[%swap3A_25], %swap3A_28 {strides = array<i32>} : memref<128xf32, #tpu.memory_space<vmem>>, vector<16xf32>,
    %swap3A_29 = arith.constant 112 : index
    %swap3A_30 = tpu.vector_load %arg5[%swap3A_29] {strides = array<i32>} : memref<128xf32, #tpu.memory_space<vmem>>, vector<16xf32>,
    %swap3A_31 = vector.shape_cast %swap3A_30 : vector<16xf32> to vector<16xf32>
    %swap3A_32 = vector.shape_cast %broadcast_in_dim3A_1 : vector<16xf32> to vector<16xf32>
    tpu.vector_store %arg5[%swap3A_29], %swap3A_32 {strides = array<i32>} : memref<128xf32, #tpu.memory_space<vmem>>, vector<16xf32>,
    %broadcast_in_dim3A_33 = arith.constant 0.000000e+00 : f32
    %broadcast_in_dim3A_34 = vector.broadcast %broadcast_in_dim3A_33 : f32 to vector<16xf32>
    %swap3A_35 = arith.constant 0 : index
    %swap3A_36 = tpu.vector_load %arg6[%swap3A_35] {strides = array<i32>} : memref<128xf32, #tpu.memory_space<vmem>>, vector<16xf32>,
    %swap3A_37 = vector.shape_cast %swap3A_36 : vector<16xf32> to vector<16xf32>
    %swap3A_38 = vector.shape_cast %broadcast_in_dim3A_34 : vector<16xf32> to vector<16xf32>
    tpu.vector_store %arg6[%swap3A_35], %swap3A_38 {strides = array<i32>} : memref<128xf32, #tpu.memory_space<vmem>>, vector<16xf32>,
    %swap3A_39 = arith.constant 16 : index
    %swap3A_40 = tpu.vector_load %arg6[%swap3A_39] {strides = array<i32>} : memref<128xf32, #tpu.memory_space<vmem>>, vector<16xf32>,
    %swap3A_41 = vector.shape_cast %swap3A_40 : vector<16xf32> to vector<16xf32>
    %swap3A_42 = vector.shape_cast %broadcast_in_dim3A_34 : vector<16xf32> to vector<16xf32>
    tpu.vector_store %arg6[%swap3A_39], %swap3A_42 {strides = array<i32>} : memref<128xf32, #tpu.memory_space<vmem>>, vector<16xf32>,
    %swap3A_43 = arith.constant 32 : index
    %swap3A_44 = tpu.vector_load %arg6[%swap3A_43] {strides = array<i32>} : memref<128xf32, #tpu.memory_space<vmem>>, vector<16xf32>,
    %swap3A_45 = vector.shape_cast %swap3A_44 : vector<16xf32> to vector<16xf32>
    %swap3A_46 = vector.shape_cast %broadcast_in_dim3A_34 : vector<16xf32> to vector<16xf32>
    tpu.vector_store %arg6[%swap3A_43], %swap3A_46 {strides = array<i32>} : memref<128xf32, #tpu.memory_space<vmem>>, vector<16xf32>,
    %swap3A_47 = arith.constant 48 : index
    %swap3A_48 = tpu.vector_load %arg6[%swap3A_47] {strides = array<i32>} : memref<128xf32, #tpu.memory_space<vmem>>, vector<16xf32>,
    %swap3A_49 = vector.shape_cast %swap3A_48 : vector<16xf32> to vector<16xf32>
    %swap3A_50 = vector.shape_cast %broadcast_in_dim3A_34 : vector<16xf32> to vector<16xf32>
    tpu.vector_store %arg6[%swap3A_47], %swap3A_50 {strides = array<i32>} : memref<128xf32, #tpu.memory_space<vmem>>, vector<16xf32>,
    %swap3A_51 = arith.constant 64 : index
    %swap3A_52 = tpu.vector_load %arg6[%swap3A_51] {strides = array<i32>} : memref<128xf32, #tpu.memory_space<vmem>>, vector<16xf32>,
    %swap3A_53 = vector.shape_cast %swap3A_52 : vector<16xf32> to vector<16xf32>
    %swap3A_54 = vector.shape_cast %broadcast_in_dim3A_34 : vector<16xf32> to vector<16xf32>
    tpu.vector_store %arg6[%swap3A_51], %swap3A_54 {strides = array<i32>} : memref<128xf32, #tpu.memory_space<vmem>>, vector<16xf32>,
    %swap3A_55 = arith.constant 80 : index
    %swap3A_56 = tpu.vector_load %arg6[%swap3A_55] {strides = array<i32>} : memref<128xf32, #tpu.memory_space<vmem>>, vector<16xf32>,
    %swap3A_57 = vector.shape_cast %swap3A_56 : vector<16xf32> to vector<16xf32>
    %swap3A_58 = vector.shape_cast %broadcast_in_dim3A_34 : vector<16xf32> to vector<16xf32>
    tpu.vector_store %arg6[%swap3A_55], %swap3A_58 {strides = array<i32>} : memref<128xf32, #tpu.memory_space<vmem>>, vector<16xf32>,
    %swap3A_59 = arith.constant 96 : index
    %swap3A_60 = tpu.vector_load %arg6[%swap3A_59] {strides = array<i32>} : memref<128xf32, #tpu.memory_space<vmem>>, vector<16xf32>,
    %swap3A_61 = vector.shape_cast %swap3A_60 : vector<16xf32> to vector<16xf32>
    %swap3A_62 = vector.shape_cast %broadcast_in_dim3A_34 : vector<16xf32> to vector<16xf32>
    tpu.vector_store %arg6[%swap3A_59], %swap3A_62 {strides = array<i32>} : memref<128xf32, #tpu.memory_space<vmem>>, vector<16xf32>,
    %swap3A_63 = arith.constant 112 : index
    %swap3A_64 = tpu.vector_load %arg6[%swap3A_63] {strides = array<i32>} : memref<128xf32, #tpu.memory_space<vmem>>, vector<16xf32>,
    %swap3A_65 = vector.shape_cast %swap3A_64 : vector<16xf32> to vector<16xf32>
    %swap3A_66 = vector.shape_cast %broadcast_in_dim3A_34 : vector<16xf32> to vector<16xf32>
    tpu.vector_store %arg6[%swap3A_63], %swap3A_66 {strides = array<i32>} : memref<128xf32, #tpu.memory_space<vmem>>, vector<16xf32>,
    %mul3A_67 = arith.constant 640 : i32
    %mul3A_68 = arith.muli %arg1, %mul3A_67 : i32
    %add3A_69 = arith.constant 0 : i32
    %add3A_70 = arith.addi %mul3A_68, %add3A_69 : i32
    "tpu.region"() ({
      %run_scoped3A = tpu.sem_alloc : memref<!tpu.dma_semaphore, #tpu.memory_space<semaphore_mem>>
      %dma_start3A = tpu.memref_slice %arg7[%add3A_70] : memref<10240xf32, #tpu.memory_space<vmem_shared>> -> memref<128xf32, #tpu.memory_space<vmem_shared>>
      %dma_start3A_103 = tpu.memref_slice %arg7[%add3A_70] : memref<10240xf32, #tpu.memory_space<vmem_shared>> -> memref<128xf32, #tpu.memory_space<vmem_shared>>
      tpu.enqueue_dma source(%arg6 : memref<128xf32, #tpu.memory_space<vmem>>) target(%dma_start3A_103 : memref<128xf32, #tpu.memory_space<vmem_shared>>) target_semaphore(%run_scoped3A : memref<!tpu.dma_semaphore, #tpu.memory_space<semaphore_mem>>)
      %dma_wait3A_104 = tpu.memref_slice %arg7[%add3A_70] : memref<10240xf32, #tpu.memory_space<vmem_shared>> -> memref<128xf32, #tpu.memory_space<vmem_shared>>
      %dma_wait3A_105 = tpu.memref_slice %arg7[%add3A_70] : memref<10240xf32, #tpu.memory_space<vmem_shared>> -> memref<128xf32, #tpu.memory_space<vmem_shared>>
      tpu.wait_dma2 semaphore(%run_scoped3A : memref<!tpu.dma_semaphore, #tpu.memory_space<semaphore_mem>>) src(%arg6 : memref<128xf32, #tpu.memory_space<vmem>>) dst(%dma_wait3A_105 : memref<128xf32, #tpu.memory_space<vmem_shared>>)
      tpu.yield
    }) : () -> ()
    %mul3A_71 = arith.constant 640 : i32
    %mul3A_72 = arith.muli %arg1, %mul3A_71 : i32
    %add3A_73 = arith.constant 128 : i32
    %add3A_74 = arith.addi %mul3A_72, %add3A_73 : i32
    "tpu.region"() ({
      %run_scoped3A = tpu.sem_alloc : memref<!tpu.dma_semaphore, #tpu.memory_space<semaphore_mem>>
      %dma_start3A = tpu.memref_slice %arg7[%add3A_74] : memref<10240xf32, #tpu.memory_space<vmem_shared>> -> memref<128xf32, #tpu.memory_space<vmem_shared>>
      %dma_start3A_103 = tpu.memref_slice %arg7[%add3A_74] : memref<10240xf32, #tpu.memory_space<vmem_shared>> -> memref<128xf32, #tpu.memory_space<vmem_shared>>
      tpu.enqueue_dma source(%arg6 : memref<128xf32, #tpu.memory_space<vmem>>) target(%dma_start3A_103 : memref<128xf32, #tpu.memory_space<vmem_shared>>) target_semaphore(%run_scoped3A : memref<!tpu.dma_semaphore, #tpu.memory_space<semaphore_mem>>)
      %dma_wait3A_104 = tpu.memref_slice %arg7[%add3A_74] : memref<10240xf32, #tpu.memory_space<vmem_shared>> -> memref<128xf32, #tpu.memory_space<vmem_shared>>
      %dma_wait3A_105 = tpu.memref_slice %arg7[%add3A_74] : memref<10240xf32, #tpu.memory_space<vmem_shared>> -> memref<128xf32, #tpu.memory_space<vmem_shared>>
      tpu.wait_dma2 semaphore(%run_scoped3A : memref<!tpu.dma_semaphore, #tpu.memory_space<semaphore_mem>>) src(%arg6 : memref<128xf32, #tpu.memory_space<vmem>>) dst(%dma_wait3A_105 : memref<128xf32, #tpu.memory_space<vmem_shared>>)
      tpu.yield
    }) : () -> ()
    %mul3A_75 = arith.constant 640 : i32
    %mul3A_76 = arith.muli %arg1, %mul3A_75 : i32
    %add3A_77 = arith.constant 256 : i32
    %add3A_78 = arith.addi %mul3A_76, %add3A_77 : i32
    "tpu.region"() ({
      %run_scoped3A = tpu.sem_alloc : memref<!tpu.dma_semaphore, #tpu.memory_space<semaphore_mem>>
      %dma_start3A = tpu.memref_slice %arg7[%add3A_78] : memref<10240xf32, #tpu.memory_space<vmem_shared>> -> memref<128xf32, #tpu.memory_space<vmem_shared>>
      %dma_start3A_103 = tpu.memref_slice %arg7[%add3A_78] : memref<10240xf32, #tpu.memory_space<vmem_shared>> -> memref<128xf32, #tpu.memory_space<vmem_shared>>
      tpu.enqueue_dma source(%arg6 : memref<128xf32, #tpu.memory_space<vmem>>) target(%dma_start3A_103 : memref<128xf32, #tpu.memory_space<vmem_shared>>) target_semaphore(%run_scoped3A : memref<!tpu.dma_semaphore, #tpu.memory_space<semaphore_mem>>)
      %dma_wait3A_104 = tpu.memref_slice %arg7[%add3A_78] : memref<10240xf32, #tpu.memory_space<vmem_shared>> -> memref<128xf32, #tpu.memory_space<vmem_shared>>
      %dma_wait3A_105 = tpu.memref_slice %arg7[%add3A_78] : memref<10240xf32, #tpu.memory_space<vmem_shared>> -> memref<128xf32, #tpu.memory_space<vmem_shared>>
      tpu.wait_dma2 semaphore(%run_scoped3A : memref<!tpu.dma_semaphore, #tpu.memory_space<semaphore_mem>>) src(%arg6 : memref<128xf32, #tpu.memory_space<vmem>>) dst(%dma_wait3A_105 : memref<128xf32, #tpu.memory_space<vmem_shared>>)
      tpu.yield
    }) : () -> ()
    %mul3A_79 = arith.constant 640 : i32
    %mul3A_80 = arith.muli %arg1, %mul3A_79 : i32
    %add3A_81 = arith.constant 384 : i32
    %add3A_82 = arith.addi %mul3A_80, %add3A_81 : i32
    "tpu.region"() ({
      %run_scoped3A = tpu.sem_alloc : memref<!tpu.dma_semaphore, #tpu.memory_space<semaphore_mem>>
      %dma_start3A = tpu.memref_slice %arg7[%add3A_82] : memref<10240xf32, #tpu.memory_space<vmem_shared>> -> memref<128xf32, #tpu.memory_space<vmem_shared>>
      %dma_start3A_103 = tpu.memref_slice %arg7[%add3A_82] : memref<10240xf32, #tpu.memory_space<vmem_shared>> -> memref<128xf32, #tpu.memory_space<vmem_shared>>
      tpu.enqueue_dma source(%arg6 : memref<128xf32, #tpu.memory_space<vmem>>) target(%dma_start3A_103 : memref<128xf32, #tpu.memory_space<vmem_shared>>) target_semaphore(%run_scoped3A : memref<!tpu.dma_semaphore, #tpu.memory_space<semaphore_mem>>)
      %dma_wait3A_104 = tpu.memref_slice %arg7[%add3A_82] : memref<10240xf32, #tpu.memory_space<vmem_shared>> -> memref<128xf32, #tpu.memory_space<vmem_shared>>
      %dma_wait3A_105 = tpu.memref_slice %arg7[%add3A_82] : memref<10240xf32, #tpu.memory_space<vmem_shared>> -> memref<128xf32, #tpu.memory_space<vmem_shared>>
      tpu.wait_dma2 semaphore(%run_scoped3A : memref<!tpu.dma_semaphore, #tpu.memory_space<semaphore_mem>>) src(%arg6 : memref<128xf32, #tpu.memory_space<vmem>>) dst(%dma_wait3A_105 : memref<128xf32, #tpu.memory_space<vmem_shared>>)
      tpu.yield
    }) : () -> ()
    %mul3A_83 = arith.constant 640 : i32
    %mul3A_84 = arith.muli %arg1, %mul3A_83 : i32
    %add3A_85 = arith.constant 512 : i32
    %add3A_86 = arith.addi %mul3A_84, %add3A_85 : i32
    "tpu.region"() ({
      %run_scoped3A = tpu.sem_alloc : memref<!tpu.dma_semaphore, #tpu.memory_space<semaphore_mem>>
      %dma_start3A = tpu.memref_slice %arg7[%add3A_86] : memref<10240xf32, #tpu.memory_space<vmem_shared>> -> memref<128xf32, #tpu.memory_space<vmem_shared>>
      %dma_start3A_103 = tpu.memref_slice %arg7[%add3A_86] : memref<10240xf32, #tpu.memory_space<vmem_shared>> -> memref<128xf32, #tpu.memory_space<vmem_shared>>
      tpu.enqueue_dma source(%arg6 : memref<128xf32, #tpu.memory_space<vmem>>) target(%dma_start3A_103 : memref<128xf32, #tpu.memory_space<vmem_shared>>) target_semaphore(%run_scoped3A : memref<!tpu.dma_semaphore, #tpu.memory_space<semaphore_mem>>)
      %dma_wait3A_104 = tpu.memref_slice %arg7[%add3A_86] : memref<10240xf32, #tpu.memory_space<vmem_shared>> -> memref<128xf32, #tpu.memory_space<vmem_shared>>
      %dma_wait3A_105 = tpu.memref_slice %arg7[%add3A_86] : memref<10240xf32, #tpu.memory_space<vmem_shared>> -> memref<128xf32, #tpu.memory_space<vmem_shared>>
      tpu.wait_dma2 semaphore(%run_scoped3A : memref<!tpu.dma_semaphore, #tpu.memory_space<semaphore_mem>>) src(%arg6 : memref<128xf32, #tpu.memory_space<vmem>>) dst(%dma_wait3A_105 : memref<128xf32, #tpu.memory_space<vmem_shared>>)
      tpu.yield
    }) : () -> ()
    %mul3A_87 = arith.constant 80 : i32
    %mul3A_88 = arith.muli %add3A, %mul3A_87 : i32
    "tpu.region"() ({
      %run_scoped3A = tpu.sem_alloc : memref<!tpu.dma_semaphore, #tpu.memory_space<semaphore_mem>>
      %dma_start3A = arith.constant 0 : i32
      %dma_start3A_103 = tpu.memref_slice %arg2[%mul3A_88, %dma_start3A] : memref<2560x128xi32, #tpu.memory_space<hbm>> -> memref<80x128xi32, #tpu.memory_space<hbm>>
      %dma_start3A_104 = arith.constant 0 : i32
      %dma_start3A_105 = tpu.memref_slice %arg2[%mul3A_88, %dma_start3A_104] : memref<2560x128xi32, #tpu.memory_space<hbm>> -> memref<80x128xi32, #tpu.memory_space<hbm>>
      tpu.enqueue_dma source(%dma_start3A_105 : memref<80x128xi32, #tpu.memory_space<hbm>>) target(%arg4 : memref<80x128xi32, #tpu.memory_space<vmem>>) target_semaphore(%run_scoped3A : memref<!tpu.dma_semaphore, #tpu.memory_space<semaphore_mem>>)
      %dma_wait3A_106 = arith.constant 0 : i32
      %dma_wait3A_107 = tpu.memref_slice %arg2[%mul3A_88, %dma_wait3A_106] : memref<2560x128xi32, #tpu.memory_space<hbm>> -> memref<80x128xi32, #tpu.memory_space<hbm>>
      %dma_wait3A_108 = arith.constant 0 : i32
      %dma_wait3A_109 = tpu.memref_slice %arg2[%mul3A_88, %dma_wait3A_108] : memref<2560x128xi32, #tpu.memory_space<hbm>> -> memref<80x128xi32, #tpu.memory_space<hbm>>
      tpu.wait_dma2 semaphore(%run_scoped3A : memref<!tpu.dma_semaphore, #tpu.memory_space<semaphore_mem>>) src(%dma_wait3A_109 : memref<80x128xi32, #tpu.memory_space<hbm>>) dst(%arg4 : memref<80x128xi32, #tpu.memory_space<vmem>>)
      tpu.yield
    }) : () -> ()
    %barrier3A = arith.constant 0 : index
    tpu.barrier barrier_id(%barrier3A)
    %scan3A = arith.constant 0 : i32
    %scan3A_89 = arith.constant 80 : i32
    %scan3A_90 = arith.addi %scan3A, %scan3A_89 : i32
    %scan3A_91 = arith.constant 1 : i32
    scf.for %scan3A_103 = %scan3A to %scan3A_90 step %scan3A_91  : i32 {
      %mul3A_104 = arith.constant 1 : i32
      %mul3A_105 = arith.muli %scan3A_103, %mul3A_104 : i32
      %add3A_106 = arith.constant 0 : i32
      %add3A_107 = arith.addi %add3A_106, %mul3A_105 : i32
      %dma_start3A = arith.constant 0 : i32
      %dma_start3A_108 = tpu.memref_slice %arg4[%add3A_107, %dma_start3A] : memref<80x128xi32, #tpu.memory_space<vmem>> -> memref<1x128xi32, #tpu.memory_space<vmem>>
      %dma_start3A_109 = tpu.memref_squeeze %dma_start3A_108 : memref<1x128xi32, #tpu.memory_space<vmem>> -> memref<128xi32, #tpu.memory_space<vmem>>
      %dma_start3A_110 = arith.constant 0 : i32
      %dma_start3A_111 = tpu.memref_slice %arg7[%dma_start3A_110] : memref<10240xf32, #tpu.memory_space<vmem_shared>> -> memref<10240xf32, #tpu.memory_space<vmem_shared>>
      tpu.enqueue_indirect_dma source(%arg5 : memref<128xf32, #tpu.memory_space<vmem>>) target(%dma_start3A_111 : memref<10240xf32, #tpu.memory_space<vmem_shared>>) offsets(%dma_start3A_109 : memref<128xi32, #tpu.memory_space<vmem>>) semaphore(%arg8 : memref<!tpu.dma_semaphore, #tpu.memory_space<semaphore_mem>>) {add = true}
    }
    %scan3A_92 = arith.constant 80 : i32
    %dma_wait3A = arith.constant 0 : i32
    %dma_wait3A_93 = arith.constant 0 : i32
    %dma_wait3A_94 = tpu.memref_slice %arg2[%dma_wait3A, %dma_wait3A_93] : memref<2560x128xi32, #tpu.memory_space<hbm>> -> memref<80x128xi32, #tpu.memory_space<hbm>>
    %dma_wait3A_95 = arith.constant 0 : i32
    %dma_wait3A_96 = arith.constant 0 : i32
    %dma_wait3A_97 = tpu.memref_slice %arg2[%dma_wait3A_95, %dma_wait3A_96] : memref<2560x128xi32, #tpu.memory_space<hbm>> -> memref<80x128xi32, #tpu.memory_space<hbm>>
    tpu.wait_dma2 semaphore(%arg8 : memref<!tpu.dma_semaphore, #tpu.memory_space<semaphore_mem>>) src(%dma_wait3A_97 : memref<80x128xi32, #tpu.memory_space<hbm>>) dst(%arg4 : memref<80x128xi32, #tpu.memory_space<vmem>>)
    %barrier3A_98 = arith.constant 0 : index
    tpu.barrier barrier_id(%barrier3A_98)
    %mul3A_99 = arith.constant 640 : i32
    %mul3A_100 = arith.muli %arg1, %mul3A_99 : i32
    %mul3A_101 = arith.constant 640 : i32
    %mul3A_102 = arith.muli %arg1, %mul3A_101 : i32
    "tpu.region"() ({
      %run_scoped3A = tpu.sem_alloc : memref<!tpu.dma_semaphore, #tpu.memory_space<semaphore_mem>>
      %dma_start3A = tpu.memref_slice %arg3[%arg0, %mul3A_102] : memref<2x10240xf32, #tpu.memory_space<hbm>> -> memref<1x640xf32, #tpu.memory_space<hbm>>
      %dma_start3A_103 = tpu.memref_squeeze %dma_start3A : memref<1x640xf32, #tpu.memory_space<hbm>> -> memref<640xf32, #tpu.memory_space<hbm>>
      %dma_start3A_104 = tpu.memref_slice %arg7[%mul3A_100] : memref<10240xf32, #tpu.memory_space<vmem_shared>> -> memref<640xf32, #tpu.memory_space<vmem_shared>>
      tpu.enqueue_dma source(%dma_start3A_104 : memref<640xf32, #tpu.memory_space<vmem_shared>>) target(%dma_start3A_103 : memref<640xf32, #tpu.memory_space<hbm>>) target_semaphore(%run_scoped3A : memref<!tpu.dma_semaphore, #tpu.memory_space<semaphore_mem>>)
      %dma_wait3A_105 = tpu.memref_slice %arg3[%arg0, %mul3A_102] : memref<2x10240xf32, #tpu.memory_space<hbm>> -> memref<1x640xf32, #tpu.memory_space<hbm>>
      %dma_wait3A_106 = tpu.memref_squeeze %dma_wait3A_105 : memref<1x640xf32, #tpu.memory_space<hbm>> -> memref<640xf32, #tpu.memory_space<hbm>>
      %dma_wait3A_107 = tpu.memref_slice %arg7[%mul3A_100] : memref<10240xf32, #tpu.memory_space<vmem_shared>> -> memref<640xf32, #tpu.memory_space<vmem_shared>>
      tpu.wait_dma2 semaphore(%run_scoped3A : memref<!tpu.dma_semaphore, #tpu.memory_space<semaphore_mem>>) src(%dma_wait3A_107 : memref<640xf32, #tpu.memory_space<vmem_shared>>) dst(%dma_wait3A_106 : memref<640xf32, #tpu.memory_space<hbm>>)
      tpu.yield
    }) : () -> ()
    return
  }
}

#map = affine_map<(d0, d1) -> (0, 0)>
#map1 = affine_map<(d0, d1) -> (0)>
#map2 = affine_map<(d0, d1) -> (0, 0, 0)>
module attributes {stable_mosaic.version = 14 : i64} {
  func.func @scatter_kernel(%arg0: i32, %arg1: i32, %arg2: memref<10240x128xf32, #tpu.memory_space<hbm>>, %arg3: memref<327680xi32, #tpu.memory_space<hbm>>, %arg4: memref<327680xi32, #tpu.memory_space<hbm>>, %arg5: memref<2x10240x128xf32, #tpu.memory_space<hbm>>, %arg6: memref<128xi32, #tpu.memory_space<vmem>>, %arg7: memref<128xi32, #tpu.memory_space<vmem>>, %arg8: memref<128xi32, #tpu.memory_space<vmem>>, %arg9: memref<128xi32, #tpu.memory_space<vmem>>, %arg10: memref<128x128xf32, #tpu.memory_space<vmem>>, %arg11: memref<128x128xf32, #tpu.memory_space<vmem>>, %arg12: memref<10240x128xf32, #tpu.memory_space<vmem_shared>>, %arg13: memref<!tpu.dma_semaphore, #tpu.memory_space<semaphore_mem>>, %arg14: memref<!tpu.dma_semaphore, #tpu.memory_space<semaphore_mem>>, %arg15: memref<!tpu.dma_semaphore, #tpu.memory_space<semaphore_mem>>, %arg16: memref<!tpu.dma_semaphore, #tpu.memory_space<semaphore_mem>>) attributes {dimension_semantics = [#tpu.dimension_semantics<core_parallel>, #tpu.dimension_semantics<subcore_parallel>], iteration_bounds = array<i64: 2, 16>, scalar_prefetch = 0 : i64, scratch_operands = 11 : i64, tpu.core_type = #tpu.core_type<sc_vector_subcore>, window_params = [{transform_indices = #map}, {transform_indices = #map1}, {transform_indices = #map1}, {transform_indices = #map2}]} {
    %mul3A = arith.constant 2 : i32
    %mul3A_0 = arith.muli %arg1, %mul3A : i32
    %add3A = arith.addi %mul3A_0, %arg0 : i32
    %mul3A_1 = arith.constant 80 : i32
    %mul3A_2 = arith.muli %add3A, %mul3A_1 : i32
    %broadcast_in_dim3A = arith.constant 0.000000e+00 : f32
    %broadcast_in_dim3A_3 = vector.broadcast %broadcast_in_dim3A : f32 to vector<16xf32>
    %scan3A = arith.constant 0 : i32
    %scan3A_4 = arith.constant 128 : i32
    %scan3A_5 = arith.addi %scan3A, %scan3A_4 : i32
    %scan3A_6 = arith.constant 1 : i32
    scf.for %scan3A_80 = %scan3A to %scan3A_5 step %scan3A_6  : i32 {
      %mul3A_81 = arith.constant 1 : i32
      %mul3A_82 = arith.muli %scan3A_80, %mul3A_81 : i32
      %add3A_83 = arith.constant 0 : i32
      %add3A_84 = arith.addi %add3A_83, %mul3A_82 : i32
      %swap3A = arith.index_cast %add3A_84 : i32 to index
      %swap3A_85 = arith.constant 0 : index
      %swap3A_86 = tpu.vector_load %arg10[%swap3A, %swap3A_85] {strides = array<i32>} : memref<128x128xf32, #tpu.memory_space<vmem>>, vector<1x16xf32>,
      %swap3A_87 = vector.shape_cast %swap3A_86 : vector<1x16xf32> to vector<16xf32>
      %swap3A_88 = vector.shape_cast %broadcast_in_dim3A_3 : vector<16xf32> to vector<1x16xf32>
      tpu.vector_store %arg10[%swap3A, %swap3A_85], %swap3A_88 {strides = array<i32>} : memref<128x128xf32, #tpu.memory_space<vmem>>, vector<1x16xf32>,
      %swap3A_89 = arith.index_cast %add3A_84 : i32 to index
      %swap3A_90 = arith.constant 16 : index
      %swap3A_91 = tpu.vector_load %arg10[%swap3A_89, %swap3A_90] {strides = array<i32>} : memref<128x128xf32, #tpu.memory_space<vmem>>, vector<1x16xf32>,
      %swap3A_92 = vector.shape_cast %swap3A_91 : vector<1x16xf32> to vector<16xf32>
      %swap3A_93 = vector.shape_cast %broadcast_in_dim3A_3 : vector<16xf32> to vector<1x16xf32>
      tpu.vector_store %arg10[%swap3A_89, %swap3A_90], %swap3A_93 {strides = array<i32>} : memref<128x128xf32, #tpu.memory_space<vmem>>, vector<1x16xf32>,
      %swap3A_94 = arith.index_cast %add3A_84 : i32 to index
      %swap3A_95 = arith.constant 32 : index
      %swap3A_96 = tpu.vector_load %arg10[%swap3A_94, %swap3A_95] {strides = array<i32>} : memref<128x128xf32, #tpu.memory_space<vmem>>, vector<1x16xf32>,
      %swap3A_97 = vector.shape_cast %swap3A_96 : vector<1x16xf32> to vector<16xf32>
      %swap3A_98 = vector.shape_cast %broadcast_in_dim3A_3 : vector<16xf32> to vector<1x16xf32>
      tpu.vector_store %arg10[%swap3A_94, %swap3A_95], %swap3A_98 {strides = array<i32>} : memref<128x128xf32, #tpu.memory_space<vmem>>, vector<1x16xf32>,
      %swap3A_99 = arith.index_cast %add3A_84 : i32 to index
      %swap3A_100 = arith.constant 48 : index
      %swap3A_101 = tpu.vector_load %arg10[%swap3A_99, %swap3A_100] {strides = array<i32>} : memref<128x128xf32, #tpu.memory_space<vmem>>, vector<1x16xf32>,
      %swap3A_102 = vector.shape_cast %swap3A_101 : vector<1x16xf32> to vector<16xf32>
      %swap3A_103 = vector.shape_cast %broadcast_in_dim3A_3 : vector<16xf32> to vector<1x16xf32>
      tpu.vector_store %arg10[%swap3A_99, %swap3A_100], %swap3A_103 {strides = array<i32>} : memref<128x128xf32, #tpu.memory_space<vmem>>, vector<1x16xf32>,
      %swap3A_104 = arith.index_cast %add3A_84 : i32 to index
      %swap3A_105 = arith.constant 64 : index
      %swap3A_106 = tpu.vector_load %arg10[%swap3A_104, %swap3A_105] {strides = array<i32>} : memref<128x128xf32, #tpu.memory_space<vmem>>, vector<1x16xf32>,
      %swap3A_107 = vector.shape_cast %swap3A_106 : vector<1x16xf32> to vector<16xf32>
      %swap3A_108 = vector.shape_cast %broadcast_in_dim3A_3 : vector<16xf32> to vector<1x16xf32>
      tpu.vector_store %arg10[%swap3A_104, %swap3A_105], %swap3A_108 {strides = array<i32>} : memref<128x128xf32, #tpu.memory_space<vmem>>, vector<1x16xf32>,
      %swap3A_109 = arith.index_cast %add3A_84 : i32 to index
      %swap3A_110 = arith.constant 80 : index
      %swap3A_111 = tpu.vector_load %arg10[%swap3A_109, %swap3A_110] {strides = array<i32>} : memref<128x128xf32, #tpu.memory_space<vmem>>, vector<1x16xf32>,
      %swap3A_112 = vector.shape_cast %swap3A_111 : vector<1x16xf32> to vector<16xf32>
      %swap3A_113 = vector.shape_cast %broadcast_in_dim3A_3 : vector<16xf32> to vector<1x16xf32>
      tpu.vector_store %arg10[%swap3A_109, %swap3A_110], %swap3A_113 {strides = array<i32>} : memref<128x128xf32, #tpu.memory_space<vmem>>, vector<1x16xf32>,
      %swap3A_114 = arith.index_cast %add3A_84 : i32 to index
      %swap3A_115 = arith.constant 96 : index
      %swap3A_116 = tpu.vector_load %arg10[%swap3A_114, %swap3A_115] {strides = array<i32>} : memref<128x128xf32, #tpu.memory_space<vmem>>, vector<1x16xf32>,
      %swap3A_117 = vector.shape_cast %swap3A_116 : vector<1x16xf32> to vector<16xf32>
      %swap3A_118 = vector.shape_cast %broadcast_in_dim3A_3 : vector<16xf32> to vector<1x16xf32>
      tpu.vector_store %arg10[%swap3A_114, %swap3A_115], %swap3A_118 {strides = array<i32>} : memref<128x128xf32, #tpu.memory_space<vmem>>, vector<1x16xf32>,
      %swap3A_119 = arith.index_cast %add3A_84 : i32 to index
      %swap3A_120 = arith.constant 112 : index
      %swap3A_121 = tpu.vector_load %arg10[%swap3A_119, %swap3A_120] {strides = array<i32>} : memref<128x128xf32, #tpu.memory_space<vmem>>, vector<1x16xf32>,
      %swap3A_122 = vector.shape_cast %swap3A_121 : vector<1x16xf32> to vector<16xf32>
      %swap3A_123 = vector.shape_cast %broadcast_in_dim3A_3 : vector<16xf32> to vector<1x16xf32>
      tpu.vector_store %arg10[%swap3A_119, %swap3A_120], %swap3A_123 {strides = array<i32>} : memref<128x128xf32, #tpu.memory_space<vmem>>, vector<1x16xf32>,
    }
    %scan3A_7 = arith.constant 128 : i32
    %mul3A_8 = arith.constant 640 : i32
    %mul3A_9 = arith.muli %arg1, %mul3A_8 : i32
    %add3A_10 = arith.constant 0 : i32
    %add3A_11 = arith.addi %mul3A_9, %add3A_10 : i32
    "tpu.region"() ({
      %run_scoped3A = tpu.sem_alloc : memref<!tpu.dma_semaphore, #tpu.memory_space<semaphore_mem>>
      %dma_start3A_80 = arith.constant 0 : i32
      %dma_start3A_81 = tpu.memref_slice %arg12[%add3A_11, %dma_start3A_80] : memref<10240x128xf32, #tpu.memory_space<vmem_shared>> -> memref<128x128xf32, #tpu.memory_space<vmem_shared>>
      %dma_start3A_82 = arith.constant 0 : i32
      %dma_start3A_83 = tpu.memref_slice %arg12[%add3A_11, %dma_start3A_82] : memref<10240x128xf32, #tpu.memory_space<vmem_shared>> -> memref<128x128xf32, #tpu.memory_space<vmem_shared>>
      tpu.enqueue_dma source(%arg10 : memref<128x128xf32, #tpu.memory_space<vmem>>) target(%dma_start3A_83 : memref<128x128xf32, #tpu.memory_space<vmem_shared>>) target_semaphore(%run_scoped3A : memref<!tpu.dma_semaphore, #tpu.memory_space<semaphore_mem>>)
      %dma_wait3A_84 = arith.constant 0 : i32
      %dma_wait3A_85 = tpu.memref_slice %arg12[%add3A_11, %dma_wait3A_84] : memref<10240x128xf32, #tpu.memory_space<vmem_shared>> -> memref<128x128xf32, #tpu.memory_space<vmem_shared>>
      %dma_wait3A_86 = arith.constant 0 : i32
      %dma_wait3A_87 = tpu.memref_slice %arg12[%add3A_11, %dma_wait3A_86] : memref<10240x128xf32, #tpu.memory_space<vmem_shared>> -> memref<128x128xf32, #tpu.memory_space<vmem_shared>>
      tpu.wait_dma2 semaphore(%run_scoped3A : memref<!tpu.dma_semaphore, #tpu.memory_space<semaphore_mem>>) src(%arg10 : memref<128x128xf32, #tpu.memory_space<vmem>>) dst(%dma_wait3A_87 : memref<128x128xf32, #tpu.memory_space<vmem_shared>>)
      tpu.yield
    }) : () -> ()
    %mul3A_12 = arith.constant 640 : i32
    %mul3A_13 = arith.muli %arg1, %mul3A_12 : i32
    %add3A_14 = arith.constant 128 : i32
    %add3A_15 = arith.addi %mul3A_13, %add3A_14 : i32
    "tpu.region"() ({
      %run_scoped3A = tpu.sem_alloc : memref<!tpu.dma_semaphore, #tpu.memory_space<semaphore_mem>>
      %dma_start3A_80 = arith.constant 0 : i32
      %dma_start3A_81 = tpu.memref_slice %arg12[%add3A_15, %dma_start3A_80] : memref<10240x128xf32, #tpu.memory_space<vmem_shared>> -> memref<128x128xf32, #tpu.memory_space<vmem_shared>>
      %dma_start3A_82 = arith.constant 0 : i32
      %dma_start3A_83 = tpu.memref_slice %arg12[%add3A_15, %dma_start3A_82] : memref<10240x128xf32, #tpu.memory_space<vmem_shared>> -> memref<128x128xf32, #tpu.memory_space<vmem_shared>>
      tpu.enqueue_dma source(%arg10 : memref<128x128xf32, #tpu.memory_space<vmem>>) target(%dma_start3A_83 : memref<128x128xf32, #tpu.memory_space<vmem_shared>>) target_semaphore(%run_scoped3A : memref<!tpu.dma_semaphore, #tpu.memory_space<semaphore_mem>>)
      %dma_wait3A_84 = arith.constant 0 : i32
      %dma_wait3A_85 = tpu.memref_slice %arg12[%add3A_15, %dma_wait3A_84] : memref<10240x128xf32, #tpu.memory_space<vmem_shared>> -> memref<128x128xf32, #tpu.memory_space<vmem_shared>>
      %dma_wait3A_86 = arith.constant 0 : i32
      %dma_wait3A_87 = tpu.memref_slice %arg12[%add3A_15, %dma_wait3A_86] : memref<10240x128xf32, #tpu.memory_space<vmem_shared>> -> memref<128x128xf32, #tpu.memory_space<vmem_shared>>
      tpu.wait_dma2 semaphore(%run_scoped3A : memref<!tpu.dma_semaphore, #tpu.memory_space<semaphore_mem>>) src(%arg10 : memref<128x128xf32, #tpu.memory_space<vmem>>) dst(%dma_wait3A_87 : memref<128x128xf32, #tpu.memory_space<vmem_shared>>)
      tpu.yield
    }) : () -> ()
    %mul3A_16 = arith.constant 640 : i32
    %mul3A_17 = arith.muli %arg1, %mul3A_16 : i32
    %add3A_18 = arith.constant 256 : i32
    %add3A_19 = arith.addi %mul3A_17, %add3A_18 : i32
    "tpu.region"() ({
      %run_scoped3A = tpu.sem_alloc : memref<!tpu.dma_semaphore, #tpu.memory_space<semaphore_mem>>
      %dma_start3A_80 = arith.constant 0 : i32
      %dma_start3A_81 = tpu.memref_slice %arg12[%add3A_19, %dma_start3A_80] : memref<10240x128xf32, #tpu.memory_space<vmem_shared>> -> memref<128x128xf32, #tpu.memory_space<vmem_shared>>
      %dma_start3A_82 = arith.constant 0 : i32
      %dma_start3A_83 = tpu.memref_slice %arg12[%add3A_19, %dma_start3A_82] : memref<10240x128xf32, #tpu.memory_space<vmem_shared>> -> memref<128x128xf32, #tpu.memory_space<vmem_shared>>
      tpu.enqueue_dma source(%arg10 : memref<128x128xf32, #tpu.memory_space<vmem>>) target(%dma_start3A_83 : memref<128x128xf32, #tpu.memory_space<vmem_shared>>) target_semaphore(%run_scoped3A : memref<!tpu.dma_semaphore, #tpu.memory_space<semaphore_mem>>)
      %dma_wait3A_84 = arith.constant 0 : i32
      %dma_wait3A_85 = tpu.memref_slice %arg12[%add3A_19, %dma_wait3A_84] : memref<10240x128xf32, #tpu.memory_space<vmem_shared>> -> memref<128x128xf32, #tpu.memory_space<vmem_shared>>
      %dma_wait3A_86 = arith.constant 0 : i32
      %dma_wait3A_87 = tpu.memref_slice %arg12[%add3A_19, %dma_wait3A_86] : memref<10240x128xf32, #tpu.memory_space<vmem_shared>> -> memref<128x128xf32, #tpu.memory_space<vmem_shared>>
      tpu.wait_dma2 semaphore(%run_scoped3A : memref<!tpu.dma_semaphore, #tpu.memory_space<semaphore_mem>>) src(%arg10 : memref<128x128xf32, #tpu.memory_space<vmem>>) dst(%dma_wait3A_87 : memref<128x128xf32, #tpu.memory_space<vmem_shared>>)
      tpu.yield
    }) : () -> ()
    %mul3A_20 = arith.constant 640 : i32
    %mul3A_21 = arith.muli %arg1, %mul3A_20 : i32
    %add3A_22 = arith.constant 384 : i32
    %add3A_23 = arith.addi %mul3A_21, %add3A_22 : i32
    "tpu.region"() ({
      %run_scoped3A = tpu.sem_alloc : memref<!tpu.dma_semaphore, #tpu.memory_space<semaphore_mem>>
      %dma_start3A_80 = arith.constant 0 : i32
      %dma_start3A_81 = tpu.memref_slice %arg12[%add3A_23, %dma_start3A_80] : memref<10240x128xf32, #tpu.memory_space<vmem_shared>> -> memref<128x128xf32, #tpu.memory_space<vmem_shared>>
      %dma_start3A_82 = arith.constant 0 : i32
      %dma_start3A_83 = tpu.memref_slice %arg12[%add3A_23, %dma_start3A_82] : memref<10240x128xf32, #tpu.memory_space<vmem_shared>> -> memref<128x128xf32, #tpu.memory_space<vmem_shared>>
      tpu.enqueue_dma source(%arg10 : memref<128x128xf32, #tpu.memory_space<vmem>>) target(%dma_start3A_83 : memref<128x128xf32, #tpu.memory_space<vmem_shared>>) target_semaphore(%run_scoped3A : memref<!tpu.dma_semaphore, #tpu.memory_space<semaphore_mem>>)
      %dma_wait3A_84 = arith.constant 0 : i32
      %dma_wait3A_85 = tpu.memref_slice %arg12[%add3A_23, %dma_wait3A_84] : memref<10240x128xf32, #tpu.memory_space<vmem_shared>> -> memref<128x128xf32, #tpu.memory_space<vmem_shared>>
      %dma_wait3A_86 = arith.constant 0 : i32
      %dma_wait3A_87 = tpu.memref_slice %arg12[%add3A_23, %dma_wait3A_86] : memref<10240x128xf32, #tpu.memory_space<vmem_shared>> -> memref<128x128xf32, #tpu.memory_space<vmem_shared>>
      tpu.wait_dma2 semaphore(%run_scoped3A : memref<!tpu.dma_semaphore, #tpu.memory_space<semaphore_mem>>) src(%arg10 : memref<128x128xf32, #tpu.memory_space<vmem>>) dst(%dma_wait3A_87 : memref<128x128xf32, #tpu.memory_space<vmem_shared>>)
      tpu.yield
    }) : () -> ()
    %mul3A_24 = arith.constant 640 : i32
    %mul3A_25 = arith.muli %arg1, %mul3A_24 : i32
    %add3A_26 = arith.constant 512 : i32
    %add3A_27 = arith.addi %mul3A_25, %add3A_26 : i32
    "tpu.region"() ({
      %run_scoped3A = tpu.sem_alloc : memref<!tpu.dma_semaphore, #tpu.memory_space<semaphore_mem>>
      %dma_start3A_80 = arith.constant 0 : i32
      %dma_start3A_81 = tpu.memref_slice %arg12[%add3A_27, %dma_start3A_80] : memref<10240x128xf32, #tpu.memory_space<vmem_shared>> -> memref<128x128xf32, #tpu.memory_space<vmem_shared>>
      %dma_start3A_82 = arith.constant 0 : i32
      %dma_start3A_83 = tpu.memref_slice %arg12[%add3A_27, %dma_start3A_82] : memref<10240x128xf32, #tpu.memory_space<vmem_shared>> -> memref<128x128xf32, #tpu.memory_space<vmem_shared>>
      tpu.enqueue_dma source(%arg10 : memref<128x128xf32, #tpu.memory_space<vmem>>) target(%dma_start3A_83 : memref<128x128xf32, #tpu.memory_space<vmem_shared>>) target_semaphore(%run_scoped3A : memref<!tpu.dma_semaphore, #tpu.memory_space<semaphore_mem>>)
      %dma_wait3A_84 = arith.constant 0 : i32
      %dma_wait3A_85 = tpu.memref_slice %arg12[%add3A_27, %dma_wait3A_84] : memref<10240x128xf32, #tpu.memory_space<vmem_shared>> -> memref<128x128xf32, #tpu.memory_space<vmem_shared>>
      %dma_wait3A_86 = arith.constant 0 : i32
      %dma_wait3A_87 = tpu.memref_slice %arg12[%add3A_27, %dma_wait3A_86] : memref<10240x128xf32, #tpu.memory_space<vmem_shared>> -> memref<128x128xf32, #tpu.memory_space<vmem_shared>>
      tpu.wait_dma2 semaphore(%run_scoped3A : memref<!tpu.dma_semaphore, #tpu.memory_space<semaphore_mem>>) src(%arg10 : memref<128x128xf32, #tpu.memory_space<vmem>>) dst(%dma_wait3A_87 : memref<128x128xf32, #tpu.memory_space<vmem_shared>>)
      tpu.yield
    }) : () -> ()
    %barrier3A = arith.constant 0 : index
    tpu.barrier barrier_id(%barrier3A)
    %add3A_28 = arith.constant 0 : i32
    %add3A_29 = arith.addi %mul3A_2, %add3A_28 : i32
    %mul3A_30 = arith.constant 128 : i32
    %mul3A_31 = arith.muli %add3A_29, %mul3A_30 : i32
    %dma_start3A = tpu.memref_slice %arg3[%mul3A_31] : memref<327680xi32, #tpu.memory_space<hbm>> -> memref<128xi32, #tpu.memory_space<hbm>>
    %dma_start3A_32 = tpu.memref_slice %arg3[%mul3A_31] : memref<327680xi32, #tpu.memory_space<hbm>> -> memref<128xi32, #tpu.memory_space<hbm>>
    tpu.enqueue_dma source(%dma_start3A_32 : memref<128xi32, #tpu.memory_space<hbm>>) target(%arg6 : memref<128xi32, #tpu.memory_space<vmem>>) target_semaphore(%arg13 : memref<!tpu.dma_semaphore, #tpu.memory_space<semaphore_mem>>)
    %dma_start3A_33 = tpu.memref_slice %arg4[%mul3A_31] : memref<327680xi32, #tpu.memory_space<hbm>> -> memref<128xi32, #tpu.memory_space<hbm>>
    %dma_start3A_34 = tpu.memref_slice %arg4[%mul3A_31] : memref<327680xi32, #tpu.memory_space<hbm>> -> memref<128xi32, #tpu.memory_space<hbm>>
    tpu.enqueue_dma source(%dma_start3A_34 : memref<128xi32, #tpu.memory_space<hbm>>) target(%arg7 : memref<128xi32, #tpu.memory_space<vmem>>) target_semaphore(%arg13 : memref<!tpu.dma_semaphore, #tpu.memory_space<semaphore_mem>>)
    %add3A_35 = arith.constant 1 : i32
    %add3A_36 = arith.addi %mul3A_2, %add3A_35 : i32
    %mul3A_37 = arith.constant 128 : i32
    %mul3A_38 = arith.muli %add3A_36, %mul3A_37 : i32
    %dma_start3A_39 = tpu.memref_slice %arg3[%mul3A_38] : memref<327680xi32, #tpu.memory_space<hbm>> -> memref<128xi32, #tpu.memory_space<hbm>>
    %dma_start3A_40 = tpu.memref_slice %arg3[%mul3A_38] : memref<327680xi32, #tpu.memory_space<hbm>> -> memref<128xi32, #tpu.memory_space<hbm>>
    tpu.enqueue_dma source(%dma_start3A_40 : memref<128xi32, #tpu.memory_space<hbm>>) target(%arg8 : memref<128xi32, #tpu.memory_space<vmem>>) target_semaphore(%arg14 : memref<!tpu.dma_semaphore, #tpu.memory_space<semaphore_mem>>)
    %dma_start3A_41 = tpu.memref_slice %arg4[%mul3A_38] : memref<327680xi32, #tpu.memory_space<hbm>> -> memref<128xi32, #tpu.memory_space<hbm>>
    %dma_start3A_42 = tpu.memref_slice %arg4[%mul3A_38] : memref<327680xi32, #tpu.memory_space<hbm>> -> memref<128xi32, #tpu.memory_space<hbm>>
    tpu.enqueue_dma source(%dma_start3A_42 : memref<128xi32, #tpu.memory_space<hbm>>) target(%arg9 : memref<128xi32, #tpu.memory_space<vmem>>) target_semaphore(%arg14 : memref<!tpu.dma_semaphore, #tpu.memory_space<semaphore_mem>>)
    %dma_wait3A = arith.constant 0 : i32
    %dma_wait3A_43 = tpu.memref_slice %arg3[%dma_wait3A] : memref<327680xi32, #tpu.memory_space<hbm>> -> memref<128xi32, #tpu.memory_space<hbm>>
    %dma_wait3A_44 = arith.constant 0 : i32
    %dma_wait3A_45 = tpu.memref_slice %arg3[%dma_wait3A_44] : memref<327680xi32, #tpu.memory_space<hbm>> -> memref<128xi32, #tpu.memory_space<hbm>>
    tpu.wait_dma2 semaphore(%arg13 : memref<!tpu.dma_semaphore, #tpu.memory_space<semaphore_mem>>) src(%dma_wait3A_45 : memref<128xi32, #tpu.memory_space<hbm>>) dst(%arg6 : memref<128xi32, #tpu.memory_space<vmem>>)
    %dma_wait3A_46 = arith.constant 0 : i32
    %dma_wait3A_47 = tpu.memref_slice %arg3[%dma_wait3A_46] : memref<327680xi32, #tpu.memory_space<hbm>> -> memref<128xi32, #tpu.memory_space<hbm>>
    %dma_wait3A_48 = arith.constant 0 : i32
    %dma_wait3A_49 = tpu.memref_slice %arg3[%dma_wait3A_48] : memref<327680xi32, #tpu.memory_space<hbm>> -> memref<128xi32, #tpu.memory_space<hbm>>
    tpu.wait_dma2 semaphore(%arg13 : memref<!tpu.dma_semaphore, #tpu.memory_space<semaphore_mem>>) src(%dma_wait3A_49 : memref<128xi32, #tpu.memory_space<hbm>>) dst(%arg7 : memref<128xi32, #tpu.memory_space<vmem>>)
    %dma_start3A_50 = arith.constant 0 : i32
    %dma_start3A_51 = arith.constant 0 : i32
    %dma_start3A_52 = tpu.memref_slice %arg2[%dma_start3A_50, %dma_start3A_51] : memref<10240x128xf32, #tpu.memory_space<hbm>> -> memref<10240x128xf32, #tpu.memory_space<hbm>>
    tpu.enqueue_indirect_dma source(%dma_start3A_52 : memref<10240x128xf32, #tpu.memory_space<hbm>>) target(%arg10 : memref<128x128xf32, #tpu.memory_space<vmem>>) offsets(%arg6 : memref<128xi32, #tpu.memory_space<vmem>>) semaphore(%arg15 : memref<!tpu.dma_semaphore, #tpu.memory_space<semaphore_mem>>)
    %dma_wait3A_53 = arith.constant 0 : i32
    %dma_wait3A_54 = tpu.memref_slice %arg3[%dma_wait3A_53] : memref<327680xi32, #tpu.memory_space<hbm>> -> memref<128xi32, #tpu.memory_space<hbm>>
    %dma_wait3A_55 = arith.constant 0 : i32
    %dma_wait3A_56 = tpu.memref_slice %arg3[%dma_wait3A_55] : memref<327680xi32, #tpu.memory_space<hbm>> -> memref<128xi32, #tpu.memory_space<hbm>>
    tpu.wait_dma2 semaphore(%arg14 : memref<!tpu.dma_semaphore, #tpu.memory_space<semaphore_mem>>) src(%dma_wait3A_56 : memref<128xi32, #tpu.memory_space<hbm>>) dst(%arg8 : memref<128xi32, #tpu.memory_space<vmem>>)
    %dma_wait3A_57 = arith.constant 0 : i32
    %dma_wait3A_58 = tpu.memref_slice %arg3[%dma_wait3A_57] : memref<327680xi32, #tpu.memory_space<hbm>> -> memref<128xi32, #tpu.memory_space<hbm>>
    %dma_wait3A_59 = arith.constant 0 : i32
    %dma_wait3A_60 = tpu.memref_slice %arg3[%dma_wait3A_59] : memref<327680xi32, #tpu.memory_space<hbm>> -> memref<128xi32, #tpu.memory_space<hbm>>
    tpu.wait_dma2 semaphore(%arg14 : memref<!tpu.dma_semaphore, #tpu.memory_space<semaphore_mem>>) src(%dma_wait3A_60 : memref<128xi32, #tpu.memory_space<hbm>>) dst(%arg9 : memref<128xi32, #tpu.memory_space<vmem>>)
    %dma_start3A_61 = arith.constant 0 : i32
    %dma_start3A_62 = arith.constant 0 : i32
    %dma_start3A_63 = tpu.memref_slice %arg2[%dma_start3A_61, %dma_start3A_62] : memref<10240x128xf32, #tpu.memory_space<hbm>> -> memref<10240x128xf32, #tpu.memory_space<hbm>>
    tpu.enqueue_indirect_dma source(%dma_start3A_63 : memref<10240x128xf32, #tpu.memory_space<hbm>>) target(%arg11 : memref<128x128xf32, #tpu.memory_space<vmem>>) offsets(%arg8 : memref<128xi32, #tpu.memory_space<vmem>>) semaphore(%arg16 : memref<!tpu.dma_semaphore, #tpu.memory_space<semaphore_mem>>)
    %scan3A_64 = arith.constant 0 : i32
    %scan3A_65 = arith.constant 39 : i32
    %scan3A_66 = arith.addi %scan3A_64, %scan3A_65 : i32
    %scan3A_67 = arith.constant 1 : i32
    scf.for %scan3A_80 = %scan3A_64 to %scan3A_66 step %scan3A_67  : i32 {
      %mul3A_81 = arith.constant 1 : i32
      %mul3A_82 = arith.muli %scan3A_80, %mul3A_81 : i32
      %add3A_83 = arith.constant 0 : i32
      %add3A_84 = arith.addi %add3A_83, %mul3A_82 : i32
      %mul3A_85 = arith.constant 2 : i32
      %mul3A_86 = arith.muli %mul3A_85, %add3A_84 : i32
      %dma_wait3A_87 = arith.constant 0 : i32
      %dma_wait3A_88 = arith.constant 0 : i32
      %dma_wait3A_89 = tpu.memref_slice %arg2[%dma_wait3A_87, %dma_wait3A_88] : memref<10240x128xf32, #tpu.memory_space<hbm>> -> memref<10240x128xf32, #tpu.memory_space<hbm>>
      tpu.wait_indirect_dma semaphore(%arg15 : memref<!tpu.dma_semaphore, #tpu.memory_space<semaphore_mem>>) src(%dma_wait3A_89 : memref<10240x128xf32, #tpu.memory_space<hbm>>) dst(%arg10 : memref<128x128xf32, #tpu.memory_space<vmem>>)
      "tpu.region"() ({
        %run_scoped3A = tpu.sem_alloc : memref<!tpu.dma_semaphore, #tpu.memory_space<semaphore_mem>>
        %dma_start3A_133 = arith.constant 0 : i32
        %dma_start3A_134 = arith.constant 0 : i32
        %dma_start3A_135 = tpu.memref_slice %arg12[%dma_start3A_133, %dma_start3A_134] : memref<10240x128xf32, #tpu.memory_space<vmem_shared>> -> memref<10240x128xf32, #tpu.memory_space<vmem_shared>>
        tpu.enqueue_indirect_dma source(%arg10 : memref<128x128xf32, #tpu.memory_space<vmem>>) target(%dma_start3A_135 : memref<10240x128xf32, #tpu.memory_space<vmem_shared>>) offsets(%arg7 : memref<128xi32, #tpu.memory_space<vmem>>) semaphore(%run_scoped3A : memref<!tpu.dma_semaphore, #tpu.memory_space<semaphore_mem>>) {add = true}
        %dma_wait3A_136 = arith.constant 0 : i32
        %dma_wait3A_137 = arith.constant 0 : i32
        %dma_wait3A_138 = tpu.memref_slice %arg12[%dma_wait3A_136, %dma_wait3A_137] : memref<10240x128xf32, #tpu.memory_space<vmem_shared>> -> memref<10240x128xf32, #tpu.memory_space<vmem_shared>>
        tpu.wait_indirect_dma semaphore(%run_scoped3A : memref<!tpu.dma_semaphore, #tpu.memory_space<semaphore_mem>>) src(%arg10 : memref<128x128xf32, #tpu.memory_space<vmem>>) dst(%dma_wait3A_138 : memref<10240x128xf32, #tpu.memory_space<vmem_shared>>)
        tpu.yield
      }) : () -> ()
      %add3A_90 = arith.constant 2 : i32
      %add3A_91 = arith.addi %mul3A_86, %add3A_90 : i32
      %add3A_92 = arith.addi %mul3A_2, %add3A_91 : i32
      %mul3A_93 = arith.constant 128 : i32
      %mul3A_94 = arith.muli %add3A_92, %mul3A_93 : i32
      %dma_start3A_95 = tpu.memref_slice %arg3[%mul3A_94] : memref<327680xi32, #tpu.memory_space<hbm>> -> memref<128xi32, #tpu.memory_space<hbm>>
      %dma_start3A_96 = tpu.memref_slice %arg3[%mul3A_94] : memref<327680xi32, #tpu.memory_space<hbm>> -> memref<128xi32, #tpu.memory_space<hbm>>
      tpu.enqueue_dma source(%dma_start3A_96 : memref<128xi32, #tpu.memory_space<hbm>>) target(%arg6 : memref<128xi32, #tpu.memory_space<vmem>>) target_semaphore(%arg13 : memref<!tpu.dma_semaphore, #tpu.memory_space<semaphore_mem>>)
      %dma_start3A_97 = tpu.memref_slice %arg4[%mul3A_94] : memref<327680xi32, #tpu.memory_space<hbm>> -> memref<128xi32, #tpu.memory_space<hbm>>
      %dma_start3A_98 = tpu.memref_slice %arg4[%mul3A_94] : memref<327680xi32, #tpu.memory_space<hbm>> -> memref<128xi32, #tpu.memory_space<hbm>>
      tpu.enqueue_dma source(%dma_start3A_98 : memref<128xi32, #tpu.memory_space<hbm>>) target(%arg7 : memref<128xi32, #tpu.memory_space<vmem>>) target_semaphore(%arg13 : memref<!tpu.dma_semaphore, #tpu.memory_space<semaphore_mem>>)
      %dma_wait3A_99 = arith.constant 0 : i32
      %dma_wait3A_100 = arith.constant 0 : i32
      %dma_wait3A_101 = tpu.memref_slice %arg2[%dma_wait3A_99, %dma_wait3A_100] : memref<10240x128xf32, #tpu.memory_space<hbm>> -> memref<10240x128xf32, #tpu.memory_space<hbm>>
      tpu.wait_indirect_dma semaphore(%arg16 : memref<!tpu.dma_semaphore, #tpu.memory_space<semaphore_mem>>) src(%dma_wait3A_101 : memref<10240x128xf32, #tpu.memory_space<hbm>>) dst(%arg11 : memref<128x128xf32, #tpu.memory_space<vmem>>)
      %dma_wait3A_102 = arith.constant 0 : i32
      %dma_wait3A_103 = tpu.memref_slice %arg3[%dma_wait3A_102] : memref<327680xi32, #tpu.memory_space<hbm>> -> memref<128xi32, #tpu.memory_space<hbm>>
      %dma_wait3A_104 = arith.constant 0 : i32
      %dma_wait3A_105 = tpu.memref_slice %arg3[%dma_wait3A_104] : memref<327680xi32, #tpu.memory_space<hbm>> -> memref<128xi32, #tpu.memory_space<hbm>>
      tpu.wait_dma2 semaphore(%arg13 : memref<!tpu.dma_semaphore, #tpu.memory_space<semaphore_mem>>) src(%dma_wait3A_105 : memref<128xi32, #tpu.memory_space<hbm>>) dst(%arg6 : memref<128xi32, #tpu.memory_space<vmem>>)
      %dma_wait3A_106 = arith.constant 0 : i32
      %dma_wait3A_107 = tpu.memref_slice %arg3[%dma_wait3A_106] : memref<327680xi32, #tpu.memory_space<hbm>> -> memref<128xi32, #tpu.memory_space<hbm>>
      %dma_wait3A_108 = arith.constant 0 : i32
      %dma_wait3A_109 = tpu.memref_slice %arg3[%dma_wait3A_108] : memref<327680xi32, #tpu.memory_space<hbm>> -> memref<128xi32, #tpu.memory_space<hbm>>
      tpu.wait_dma2 semaphore(%arg13 : memref<!tpu.dma_semaphore, #tpu.memory_space<semaphore_mem>>) src(%dma_wait3A_109 : memref<128xi32, #tpu.memory_space<hbm>>) dst(%arg7 : memref<128xi32, #tpu.memory_space<vmem>>)
      %dma_start3A_110 = arith.constant 0 : i32
      %dma_start3A_111 = arith.constant 0 : i32
      %dma_start3A_112 = tpu.memref_slice %arg2[%dma_start3A_110, %dma_start3A_111] : memref<10240x128xf32, #tpu.memory_space<hbm>> -> memref<10240x128xf32, #tpu.memory_space<hbm>>
      tpu.enqueue_indirect_dma source(%dma_start3A_112 : memref<10240x128xf32, #tpu.memory_space<hbm>>) target(%arg10 : memref<128x128xf32, #tpu.memory_space<vmem>>) offsets(%arg6 : memref<128xi32, #tpu.memory_space<vmem>>) semaphore(%arg15 : memref<!tpu.dma_semaphore, #tpu.memory_space<semaphore_mem>>)
      "tpu.region"() ({
        %run_scoped3A = tpu.sem_alloc : memref<!tpu.dma_semaphore, #tpu.memory_space<semaphore_mem>>
        %dma_start3A_133 = arith.constant 0 : i32
        %dma_start3A_134 = arith.constant 0 : i32
        %dma_start3A_135 = tpu.memref_slice %arg12[%dma_start3A_133, %dma_start3A_134] : memref<10240x128xf32, #tpu.memory_space<vmem_shared>> -> memref<10240x128xf32, #tpu.memory_space<vmem_shared>>
        tpu.enqueue_indirect_dma source(%arg11 : memref<128x128xf32, #tpu.memory_space<vmem>>) target(%dma_start3A_135 : memref<10240x128xf32, #tpu.memory_space<vmem_shared>>) offsets(%arg9 : memref<128xi32, #tpu.memory_space<vmem>>) semaphore(%run_scoped3A : memref<!tpu.dma_semaphore, #tpu.memory_space<semaphore_mem>>) {add = true}
        %dma_wait3A_136 = arith.constant 0 : i32
        %dma_wait3A_137 = arith.constant 0 : i32
        %dma_wait3A_138 = tpu.memref_slice %arg12[%dma_wait3A_136, %dma_wait3A_137] : memref<10240x128xf32, #tpu.memory_space<vmem_shared>> -> memref<10240x128xf32, #tpu.memory_space<vmem_shared>>
        tpu.wait_indirect_dma semaphore(%run_scoped3A : memref<!tpu.dma_semaphore, #tpu.memory_space<semaphore_mem>>) src(%arg11 : memref<128x128xf32, #tpu.memory_space<vmem>>) dst(%dma_wait3A_138 : memref<10240x128xf32, #tpu.memory_space<vmem_shared>>)
        tpu.yield
      }) : () -> ()
      %add3A_113 = arith.constant 3 : i32
      %add3A_114 = arith.addi %mul3A_86, %add3A_113 : i32
      %add3A_115 = arith.addi %mul3A_2, %add3A_114 : i32
      %mul3A_116 = arith.constant 128 : i32
      %mul3A_117 = arith.muli %add3A_115, %mul3A_116 : i32
      %dma_start3A_118 = tpu.memref_slice %arg3[%mul3A_117] : memref<327680xi32, #tpu.memory_space<hbm>> -> memref<128xi32, #tpu.memory_space<hbm>>
      %dma_start3A_119 = tpu.memref_slice %arg3[%mul3A_117] : memref<327680xi32, #tpu.memory_space<hbm>> -> memref<128xi32, #tpu.memory_space<hbm>>
      tpu.enqueue_dma source(%dma_start3A_119 : memref<128xi32, #tpu.memory_space<hbm>>) target(%arg8 : memref<128xi32, #tpu.memory_space<vmem>>) target_semaphore(%arg14 : memref<!tpu.dma_semaphore, #tpu.memory_space<semaphore_mem>>)
      %dma_start3A_120 = tpu.memref_slice %arg4[%mul3A_117] : memref<327680xi32, #tpu.memory_space<hbm>> -> memref<128xi32, #tpu.memory_space<hbm>>
      %dma_start3A_121 = tpu.memref_slice %arg4[%mul3A_117] : memref<327680xi32, #tpu.memory_space<hbm>> -> memref<128xi32, #tpu.memory_space<hbm>>
      tpu.enqueue_dma source(%dma_start3A_121 : memref<128xi32, #tpu.memory_space<hbm>>) target(%arg9 : memref<128xi32, #tpu.memory_space<vmem>>) target_semaphore(%arg14 : memref<!tpu.dma_semaphore, #tpu.memory_space<semaphore_mem>>)
      %dma_wait3A_122 = arith.constant 0 : i32
      %dma_wait3A_123 = tpu.memref_slice %arg3[%dma_wait3A_122] : memref<327680xi32, #tpu.memory_space<hbm>> -> memref<128xi32, #tpu.memory_space<hbm>>
      %dma_wait3A_124 = arith.constant 0 : i32
      %dma_wait3A_125 = tpu.memref_slice %arg3[%dma_wait3A_124] : memref<327680xi32, #tpu.memory_space<hbm>> -> memref<128xi32, #tpu.memory_space<hbm>>
      tpu.wait_dma2 semaphore(%arg14 : memref<!tpu.dma_semaphore, #tpu.memory_space<semaphore_mem>>) src(%dma_wait3A_125 : memref<128xi32, #tpu.memory_space<hbm>>) dst(%arg8 : memref<128xi32, #tpu.memory_space<vmem>>)
      %dma_wait3A_126 = arith.constant 0 : i32
      %dma_wait3A_127 = tpu.memref_slice %arg3[%dma_wait3A_126] : memref<327680xi32, #tpu.memory_space<hbm>> -> memref<128xi32, #tpu.memory_space<hbm>>
      %dma_wait3A_128 = arith.constant 0 : i32
      %dma_wait3A_129 = tpu.memref_slice %arg3[%dma_wait3A_128] : memref<327680xi32, #tpu.memory_space<hbm>> -> memref<128xi32, #tpu.memory_space<hbm>>
      tpu.wait_dma2 semaphore(%arg14 : memref<!tpu.dma_semaphore, #tpu.memory_space<semaphore_mem>>) src(%dma_wait3A_129 : memref<128xi32, #tpu.memory_space<hbm>>) dst(%arg9 : memref<128xi32, #tpu.memory_space<vmem>>)
      %dma_start3A_130 = arith.constant 0 : i32
      %dma_start3A_131 = arith.constant 0 : i32
      %dma_start3A_132 = tpu.memref_slice %arg2[%dma_start3A_130, %dma_start3A_131] : memref<10240x128xf32, #tpu.memory_space<hbm>> -> memref<10240x128xf32, #tpu.memory_space<hbm>>
      tpu.enqueue_indirect_dma source(%dma_start3A_132 : memref<10240x128xf32, #tpu.memory_space<hbm>>) target(%arg11 : memref<128x128xf32, #tpu.memory_space<vmem>>) offsets(%arg8 : memref<128xi32, #tpu.memory_space<vmem>>) semaphore(%arg16 : memref<!tpu.dma_semaphore, #tpu.memory_space<semaphore_mem>>)
    }
    %scan3A_68 = arith.constant 39 : i32
    %dma_wait3A_69 = arith.constant 0 : i32
    %dma_wait3A_70 = arith.constant 0 : i32
    %dma_wait3A_71 = tpu.memref_slice %arg2[%dma_wait3A_69, %dma_wait3A_70] : memref<10240x128xf32, #tpu.memory_space<hbm>> -> memref<10240x128xf32, #tpu.memory_space<hbm>>
    tpu.wait_indirect_dma semaphore(%arg15 : memref<!tpu.dma_semaphore, #tpu.memory_space<semaphore_mem>>) src(%dma_wait3A_71 : memref<10240x128xf32, #tpu.memory_space<hbm>>) dst(%arg10 : memref<128x128xf32, #tpu.memory_space<vmem>>)
    "tpu.region"() ({
      %run_scoped3A = tpu.sem_alloc : memref<!tpu.dma_semaphore, #tpu.memory_space<semaphore_mem>>
      %dma_start3A_80 = arith.constant 0 : i32
      %dma_start3A_81 = arith.constant 0 : i32
      %dma_start3A_82 = tpu.memref_slice %arg12[%dma_start3A_80, %dma_start3A_81] : memref<10240x128xf32, #tpu.memory_space<vmem_shared>> -> memref<10240x128xf32, #tpu.memory_space<vmem_shared>>
      tpu.enqueue_indirect_dma source(%arg10 : memref<128x128xf32, #tpu.memory_space<vmem>>) target(%dma_start3A_82 : memref<10240x128xf32, #tpu.memory_space<vmem_shared>>) offsets(%arg7 : memref<128xi32, #tpu.memory_space<vmem>>) semaphore(%run_scoped3A : memref<!tpu.dma_semaphore, #tpu.memory_space<semaphore_mem>>) {add = true}
      %dma_wait3A_83 = arith.constant 0 : i32
      %dma_wait3A_84 = arith.constant 0 : i32
      %dma_wait3A_85 = tpu.memref_slice %arg12[%dma_wait3A_83, %dma_wait3A_84] : memref<10240x128xf32, #tpu.memory_space<vmem_shared>> -> memref<10240x128xf32, #tpu.memory_space<vmem_shared>>
      tpu.wait_indirect_dma semaphore(%run_scoped3A : memref<!tpu.dma_semaphore, #tpu.memory_space<semaphore_mem>>) src(%arg10 : memref<128x128xf32, #tpu.memory_space<vmem>>) dst(%dma_wait3A_85 : memref<10240x128xf32, #tpu.memory_space<vmem_shared>>)
      tpu.yield
    }) : () -> ()
    %dma_wait3A_72 = arith.constant 0 : i32
    %dma_wait3A_73 = arith.constant 0 : i32
    %dma_wait3A_74 = tpu.memref_slice %arg2[%dma_wait3A_72, %dma_wait3A_73] : memref<10240x128xf32, #tpu.memory_space<hbm>> -> memref<10240x128xf32, #tpu.memory_space<hbm>>
    tpu.wait_indirect_dma semaphore(%arg16 : memref<!tpu.dma_semaphore, #tpu.memory_space<semaphore_mem>>) src(%dma_wait3A_74 : memref<10240x128xf32, #tpu.memory_space<hbm>>) dst(%arg11 : memref<128x128xf32, #tpu.memory_space<vmem>>)
    "tpu.region"() ({
      %run_scoped3A = tpu.sem_alloc : memref<!tpu.dma_semaphore, #tpu.memory_space<semaphore_mem>>
      %dma_start3A_80 = arith.constant 0 : i32
      %dma_start3A_81 = arith.constant 0 : i32
      %dma_start3A_82 = tpu.memref_slice %arg12[%dma_start3A_80, %dma_start3A_81] : memref<10240x128xf32, #tpu.memory_space<vmem_shared>> -> memref<10240x128xf32, #tpu.memory_space<vmem_shared>>
      tpu.enqueue_indirect_dma source(%arg11 : memref<128x128xf32, #tpu.memory_space<vmem>>) target(%dma_start3A_82 : memref<10240x128xf32, #tpu.memory_space<vmem_shared>>) offsets(%arg9 : memref<128xi32, #tpu.memory_space<vmem>>) semaphore(%run_scoped3A : memref<!tpu.dma_semaphore, #tpu.memory_space<semaphore_mem>>) {add = true}
      %dma_wait3A_83 = arith.constant 0 : i32
      %dma_wait3A_84 = arith.constant 0 : i32
      %dma_wait3A_85 = tpu.memref_slice %arg12[%dma_wait3A_83, %dma_wait3A_84] : memref<10240x128xf32, #tpu.memory_space<vmem_shared>> -> memref<10240x128xf32, #tpu.memory_space<vmem_shared>>
      tpu.wait_indirect_dma semaphore(%run_scoped3A : memref<!tpu.dma_semaphore, #tpu.memory_space<semaphore_mem>>) src(%arg11 : memref<128x128xf32, #tpu.memory_space<vmem>>) dst(%dma_wait3A_85 : memref<10240x128xf32, #tpu.memory_space<vmem_shared>>)
      tpu.yield
    }) : () -> ()
    %barrier3A_75 = arith.constant 0 : index
    tpu.barrier barrier_id(%barrier3A_75)
    %mul3A_76 = arith.constant 640 : i32
    %mul3A_77 = arith.muli %arg1, %mul3A_76 : i32
    %mul3A_78 = arith.constant 640 : i32
    %mul3A_79 = arith.muli %arg1, %mul3A_78 : i32
    "tpu.region"() ({
      %run_scoped3A = tpu.sem_alloc : memref<!tpu.dma_semaphore, #tpu.memory_space<semaphore_mem>>
      %dma_start3A_80 = arith.constant 0 : i32
      %dma_start3A_81 = tpu.memref_slice %arg5[%arg0, %mul3A_79, %dma_start3A_80] : memref<2x10240x128xf32, #tpu.memory_space<hbm>> -> memref<1x640x128xf32, #tpu.memory_space<hbm>>
      %dma_start3A_82 = tpu.memref_squeeze %dma_start3A_81 : memref<1x640x128xf32, #tpu.memory_space<hbm>> -> memref<640x128xf32, #tpu.memory_space<hbm>>
      %dma_start3A_83 = arith.constant 0 : i32
      %dma_start3A_84 = tpu.memref_slice %arg12[%mul3A_77, %dma_start3A_83] : memref<10240x128xf32, #tpu.memory_space<vmem_shared>> -> memref<640x128xf32, #tpu.memory_space<vmem_shared>>
      tpu.enqueue_dma source(%dma_start3A_84 : memref<640x128xf32, #tpu.memory_space<vmem_shared>>) target(%dma_start3A_82 : memref<640x128xf32, #tpu.memory_space<hbm>>) target_semaphore(%run_scoped3A : memref<!tpu.dma_semaphore, #tpu.memory_space<semaphore_mem>>)
      %dma_wait3A_85 = arith.constant 0 : i32
      %dma_wait3A_86 = tpu.memref_slice %arg5[%arg0, %mul3A_79, %dma_wait3A_85] : memref<2x10240x128xf32, #tpu.memory_space<hbm>> -> memref<1x640x128xf32, #tpu.memory_space<hbm>>
      %dma_wait3A_87 = tpu.memref_squeeze %dma_wait3A_86 : memref<1x640x128xf32, #tpu.memory_space<hbm>> -> memref<640x128xf32, #tpu.memory_space<hbm>>
      %dma_wait3A_88 = arith.constant 0 : i32
      %dma_wait3A_89 = tpu.memref_slice %arg12[%mul3A_77, %dma_wait3A_88] : memref<10240x128xf32, #tpu.memory_space<vmem_shared>> -> memref<640x128xf32, #tpu.memory_space<vmem_shared>>
      tpu.wait_dma2 semaphore(%run_scoped3A : memref<!tpu.dma_semaphore, #tpu.memory_space<semaphore_mem>>) src(%dma_wait3A_89 : memref<640x128xf32, #tpu.memory_space<vmem_shared>>) dst(%dma_wait3A_87 : memref<640x128xf32, #tpu.memory_space<hbm>>)
      tpu.yield
    }) : () -> ()
    return
  }
}

#map = affine_map<(d0, d1) -> (0, 0)>
#map1 = affine_map<(d0, d1) -> (0)>
#map2 = affine_map<(d0, d1) -> (0, 0, 0)>
module attributes {stable_mosaic.version = 14 : i64} {
  func.func @scatter_kernel(%arg0: i32, %arg1: i32, %arg2: memref<10240x128xf32, #tpu.memory_space<hbm>>, %arg3: memref<327680xi32, #tpu.memory_space<hbm>>, %arg4: memref<327680xi32, #tpu.memory_space<hbm>>, %arg5: memref<2x10240x128xf32, #tpu.memory_space<hbm>>, %arg6: memref<128xi32, #tpu.memory_space<vmem>>, %arg7: memref<128xi32, #tpu.memory_space<vmem>>, %arg8: memref<128xi32, #tpu.memory_space<vmem>>, %arg9: memref<128xi32, #tpu.memory_space<vmem>>, %arg10: memref<128x128xf32, #tpu.memory_space<vmem>>, %arg11: memref<128x128xf32, #tpu.memory_space<vmem>>, %arg12: memref<10240x128xf32, #tpu.memory_space<vmem_shared>>, %arg13: memref<!tpu.dma_semaphore, #tpu.memory_space<semaphore_mem>>, %arg14: memref<!tpu.dma_semaphore, #tpu.memory_space<semaphore_mem>>, %arg15: memref<!tpu.dma_semaphore, #tpu.memory_space<semaphore_mem>>, %arg16: memref<!tpu.dma_semaphore, #tpu.memory_space<semaphore_mem>>) attributes {dimension_semantics = [#tpu.dimension_semantics<core_parallel>, #tpu.dimension_semantics<subcore_parallel>], iteration_bounds = array<i64: 2, 16>, scalar_prefetch = 0 : i64, scratch_operands = 11 : i64, tpu.core_type = #tpu.core_type<sc_vector_subcore>, window_params = [{transform_indices = #map}, {transform_indices = #map1}, {transform_indices = #map1}, {transform_indices = #map2}]} {
    %mul3A = arith.constant 2 : i32
    %mul3A_0 = arith.muli %arg1, %mul3A : i32
    %add3A = arith.addi %mul3A_0, %arg0 : i32
    %mul3A_1 = arith.constant 80 : i32
    %mul3A_2 = arith.muli %add3A, %mul3A_1 : i32
    %broadcast_in_dim3A = arith.constant 0.000000e+00 : f32
    %broadcast_in_dim3A_3 = vector.broadcast %broadcast_in_dim3A : f32 to vector<16xf32>
    %scan3A = arith.constant 0 : i32
    %scan3A_4 = arith.constant 128 : i32
    %scan3A_5 = arith.addi %scan3A, %scan3A_4 : i32
    %scan3A_6 = arith.constant 1 : i32
    scf.for %scan3A_80 = %scan3A to %scan3A_5 step %scan3A_6  : i32 {
      %mul3A_81 = arith.constant 1 : i32
      %mul3A_82 = arith.muli %scan3A_80, %mul3A_81 : i32
      %add3A_83 = arith.constant 0 : i32
      %add3A_84 = arith.addi %add3A_83, %mul3A_82 : i32
      %swap3A = arith.index_cast %add3A_84 : i32 to index
      %swap3A_85 = arith.constant 0 : index
      %swap3A_86 = tpu.vector_load %arg10[%swap3A, %swap3A_85] {strides = array<i32>} : memref<128x128xf32, #tpu.memory_space<vmem>>, vector<1x16xf32>,
      %swap3A_87 = vector.shape_cast %swap3A_86 : vector<1x16xf32> to vector<16xf32>
      %swap3A_88 = vector.shape_cast %broadcast_in_dim3A_3 : vector<16xf32> to vector<1x16xf32>
      tpu.vector_store %arg10[%swap3A, %swap3A_85], %swap3A_88 {strides = array<i32>} : memref<128x128xf32, #tpu.memory_space<vmem>>, vector<1x16xf32>,
      %swap3A_89 = arith.index_cast %add3A_84 : i32 to index
      %swap3A_90 = arith.constant 16 : index
      %swap3A_91 = tpu.vector_load %arg10[%swap3A_89, %swap3A_90] {strides = array<i32>} : memref<128x128xf32, #tpu.memory_space<vmem>>, vector<1x16xf32>,
      %swap3A_92 = vector.shape_cast %swap3A_91 : vector<1x16xf32> to vector<16xf32>
      %swap3A_93 = vector.shape_cast %broadcast_in_dim3A_3 : vector<16xf32> to vector<1x16xf32>
      tpu.vector_store %arg10[%swap3A_89, %swap3A_90], %swap3A_93 {strides = array<i32>} : memref<128x128xf32, #tpu.memory_space<vmem>>, vector<1x16xf32>,
      %swap3A_94 = arith.index_cast %add3A_84 : i32 to index
      %swap3A_95 = arith.constant 32 : index
      %swap3A_96 = tpu.vector_load %arg10[%swap3A_94, %swap3A_95] {strides = array<i32>} : memref<128x128xf32, #tpu.memory_space<vmem>>, vector<1x16xf32>,
      %swap3A_97 = vector.shape_cast %swap3A_96 : vector<1x16xf32> to vector<16xf32>
      %swap3A_98 = vector.shape_cast %broadcast_in_dim3A_3 : vector<16xf32> to vector<1x16xf32>
      tpu.vector_store %arg10[%swap3A_94, %swap3A_95], %swap3A_98 {strides = array<i32>} : memref<128x128xf32, #tpu.memory_space<vmem>>, vector<1x16xf32>,
      %swap3A_99 = arith.index_cast %add3A_84 : i32 to index
      %swap3A_100 = arith.constant 48 : index
      %swap3A_101 = tpu.vector_load %arg10[%swap3A_99, %swap3A_100] {strides = array<i32>} : memref<128x128xf32, #tpu.memory_space<vmem>>, vector<1x16xf32>,
      %swap3A_102 = vector.shape_cast %swap3A_101 : vector<1x16xf32> to vector<16xf32>
      %swap3A_103 = vector.shape_cast %broadcast_in_dim3A_3 : vector<16xf32> to vector<1x16xf32>
      tpu.vector_store %arg10[%swap3A_99, %swap3A_100], %swap3A_103 {strides = array<i32>} : memref<128x128xf32, #tpu.memory_space<vmem>>, vector<1x16xf32>,
      %swap3A_104 = arith.index_cast %add3A_84 : i32 to index
      %swap3A_105 = arith.constant 64 : index
      %swap3A_106 = tpu.vector_load %arg10[%swap3A_104, %swap3A_105] {strides = array<i32>} : memref<128x128xf32, #tpu.memory_space<vmem>>, vector<1x16xf32>,
      %swap3A_107 = vector.shape_cast %swap3A_106 : vector<1x16xf32> to vector<16xf32>
      %swap3A_108 = vector.shape_cast %broadcast_in_dim3A_3 : vector<16xf32> to vector<1x16xf32>
      tpu.vector_store %arg10[%swap3A_104, %swap3A_105], %swap3A_108 {strides = array<i32>} : memref<128x128xf32, #tpu.memory_space<vmem>>, vector<1x16xf32>,
      %swap3A_109 = arith.index_cast %add3A_84 : i32 to index
      %swap3A_110 = arith.constant 80 : index
      %swap3A_111 = tpu.vector_load %arg10[%swap3A_109, %swap3A_110] {strides = array<i32>} : memref<128x128xf32, #tpu.memory_space<vmem>>, vector<1x16xf32>,
      %swap3A_112 = vector.shape_cast %swap3A_111 : vector<1x16xf32> to vector<16xf32>
      %swap3A_113 = vector.shape_cast %broadcast_in_dim3A_3 : vector<16xf32> to vector<1x16xf32>
      tpu.vector_store %arg10[%swap3A_109, %swap3A_110], %swap3A_113 {strides = array<i32>} : memref<128x128xf32, #tpu.memory_space<vmem>>, vector<1x16xf32>,
      %swap3A_114 = arith.index_cast %add3A_84 : i32 to index
      %swap3A_115 = arith.constant 96 : index
      %swap3A_116 = tpu.vector_load %arg10[%swap3A_114, %swap3A_115] {strides = array<i32>} : memref<128x128xf32, #tpu.memory_space<vmem>>, vector<1x16xf32>,
      %swap3A_117 = vector.shape_cast %swap3A_116 : vector<1x16xf32> to vector<16xf32>
      %swap3A_118 = vector.shape_cast %broadcast_in_dim3A_3 : vector<16xf32> to vector<1x16xf32>
      tpu.vector_store %arg10[%swap3A_114, %swap3A_115], %swap3A_118 {strides = array<i32>} : memref<128x128xf32, #tpu.memory_space<vmem>>, vector<1x16xf32>,
      %swap3A_119 = arith.index_cast %add3A_84 : i32 to index
      %swap3A_120 = arith.constant 112 : index
      %swap3A_121 = tpu.vector_load %arg10[%swap3A_119, %swap3A_120] {strides = array<i32>} : memref<128x128xf32, #tpu.memory_space<vmem>>, vector<1x16xf32>,
      %swap3A_122 = vector.shape_cast %swap3A_121 : vector<1x16xf32> to vector<16xf32>
      %swap3A_123 = vector.shape_cast %broadcast_in_dim3A_3 : vector<16xf32> to vector<1x16xf32>
      tpu.vector_store %arg10[%swap3A_119, %swap3A_120], %swap3A_123 {strides = array<i32>} : memref<128x128xf32, #tpu.memory_space<vmem>>, vector<1x16xf32>,
    }
    %scan3A_7 = arith.constant 128 : i32
    %mul3A_8 = arith.constant 640 : i32
    %mul3A_9 = arith.muli %arg1, %mul3A_8 : i32
    %add3A_10 = arith.constant 0 : i32
    %add3A_11 = arith.addi %mul3A_9, %add3A_10 : i32
    "tpu.region"() ({
      %run_scoped3A = tpu.sem_alloc : memref<!tpu.dma_semaphore, #tpu.memory_space<semaphore_mem>>
      %dma_start3A_80 = arith.constant 0 : i32
      %dma_start3A_81 = tpu.memref_slice %arg12[%add3A_11, %dma_start3A_80] : memref<10240x128xf32, #tpu.memory_space<vmem_shared>> -> memref<128x128xf32, #tpu.memory_space<vmem_shared>>
      %dma_start3A_82 = arith.constant 0 : i32
      %dma_start3A_83 = tpu.memref_slice %arg12[%add3A_11, %dma_start3A_82] : memref<10240x128xf32, #tpu.memory_space<vmem_shared>> -> memref<128x128xf32, #tpu.memory_space<vmem_shared>>
      tpu.enqueue_dma source(%arg10 : memref<128x128xf32, #tpu.memory_space<vmem>>) target(%dma_start3A_83 : memref<128x128xf32, #tpu.memory_space<vmem_shared>>) target_semaphore(%run_scoped3A : memref<!tpu.dma_semaphore, #tpu.memory_space<semaphore_mem>>)
      %dma_wait3A_84 = arith.constant 0 : i32
      %dma_wait3A_85 = tpu.memref_slice %arg12[%add3A_11, %dma_wait3A_84] : memref<10240x128xf32, #tpu.memory_space<vmem_shared>> -> memref<128x128xf32, #tpu.memory_space<vmem_shared>>
      %dma_wait3A_86 = arith.constant 0 : i32
      %dma_wait3A_87 = tpu.memref_slice %arg12[%add3A_11, %dma_wait3A_86] : memref<10240x128xf32, #tpu.memory_space<vmem_shared>> -> memref<128x128xf32, #tpu.memory_space<vmem_shared>>
      tpu.wait_dma2 semaphore(%run_scoped3A : memref<!tpu.dma_semaphore, #tpu.memory_space<semaphore_mem>>) src(%arg10 : memref<128x128xf32, #tpu.memory_space<vmem>>) dst(%dma_wait3A_87 : memref<128x128xf32, #tpu.memory_space<vmem_shared>>)
      tpu.yield
    }) : () -> ()
    %mul3A_12 = arith.constant 640 : i32
    %mul3A_13 = arith.muli %arg1, %mul3A_12 : i32
    %add3A_14 = arith.constant 128 : i32
    %add3A_15 = arith.addi %mul3A_13, %add3A_14 : i32
    "tpu.region"() ({
      %run_scoped3A = tpu.sem_alloc : memref<!tpu.dma_semaphore, #tpu.memory_space<semaphore_mem>>
      %dma_start3A_80 = arith.constant 0 : i32
      %dma_start3A_81 = tpu.memref_slice %arg12[%add3A_15, %dma_start3A_80] : memref<10240x128xf32, #tpu.memory_space<vmem_shared>> -> memref<128x128xf32, #tpu.memory_space<vmem_shared>>
      %dma_start3A_82 = arith.constant 0 : i32
      %dma_start3A_83 = tpu.memref_slice %arg12[%add3A_15, %dma_start3A_82] : memref<10240x128xf32, #tpu.memory_space<vmem_shared>> -> memref<128x128xf32, #tpu.memory_space<vmem_shared>>
      tpu.enqueue_dma source(%arg10 : memref<128x128xf32, #tpu.memory_space<vmem>>) target(%dma_start3A_83 : memref<128x128xf32, #tpu.memory_space<vmem_shared>>) target_semaphore(%run_scoped3A : memref<!tpu.dma_semaphore, #tpu.memory_space<semaphore_mem>>)
      %dma_wait3A_84 = arith.constant 0 : i32
      %dma_wait3A_85 = tpu.memref_slice %arg12[%add3A_15, %dma_wait3A_84] : memref<10240x128xf32, #tpu.memory_space<vmem_shared>> -> memref<128x128xf32, #tpu.memory_space<vmem_shared>>
      %dma_wait3A_86 = arith.constant 0 : i32
      %dma_wait3A_87 = tpu.memref_slice %arg12[%add3A_15, %dma_wait3A_86] : memref<10240x128xf32, #tpu.memory_space<vmem_shared>> -> memref<128x128xf32, #tpu.memory_space<vmem_shared>>
      tpu.wait_dma2 semaphore(%run_scoped3A : memref<!tpu.dma_semaphore, #tpu.memory_space<semaphore_mem>>) src(%arg10 : memref<128x128xf32, #tpu.memory_space<vmem>>) dst(%dma_wait3A_87 : memref<128x128xf32, #tpu.memory_space<vmem_shared>>)
      tpu.yield
    }) : () -> ()
    %mul3A_16 = arith.constant 640 : i32
    %mul3A_17 = arith.muli %arg1, %mul3A_16 : i32
    %add3A_18 = arith.constant 256 : i32
    %add3A_19 = arith.addi %mul3A_17, %add3A_18 : i32
    "tpu.region"() ({
      %run_scoped3A = tpu.sem_alloc : memref<!tpu.dma_semaphore, #tpu.memory_space<semaphore_mem>>
      %dma_start3A_80 = arith.constant 0 : i32
      %dma_start3A_81 = tpu.memref_slice %arg12[%add3A_19, %dma_start3A_80] : memref<10240x128xf32, #tpu.memory_space<vmem_shared>> -> memref<128x128xf32, #tpu.memory_space<vmem_shared>>
      %dma_start3A_82 = arith.constant 0 : i32
      %dma_start3A_83 = tpu.memref_slice %arg12[%add3A_19, %dma_start3A_82] : memref<10240x128xf32, #tpu.memory_space<vmem_shared>> -> memref<128x128xf32, #tpu.memory_space<vmem_shared>>
      tpu.enqueue_dma source(%arg10 : memref<128x128xf32, #tpu.memory_space<vmem>>) target(%dma_start3A_83 : memref<128x128xf32, #tpu.memory_space<vmem_shared>>) target_semaphore(%run_scoped3A : memref<!tpu.dma_semaphore, #tpu.memory_space<semaphore_mem>>)
      %dma_wait3A_84 = arith.constant 0 : i32
      %dma_wait3A_85 = tpu.memref_slice %arg12[%add3A_19, %dma_wait3A_84] : memref<10240x128xf32, #tpu.memory_space<vmem_shared>> -> memref<128x128xf32, #tpu.memory_space<vmem_shared>>
      %dma_wait3A_86 = arith.constant 0 : i32
      %dma_wait3A_87 = tpu.memref_slice %arg12[%add3A_19, %dma_wait3A_86] : memref<10240x128xf32, #tpu.memory_space<vmem_shared>> -> memref<128x128xf32, #tpu.memory_space<vmem_shared>>
      tpu.wait_dma2 semaphore(%run_scoped3A : memref<!tpu.dma_semaphore, #tpu.memory_space<semaphore_mem>>) src(%arg10 : memref<128x128xf32, #tpu.memory_space<vmem>>) dst(%dma_wait3A_87 : memref<128x128xf32, #tpu.memory_space<vmem_shared>>)
      tpu.yield
    }) : () -> ()
    %mul3A_20 = arith.constant 640 : i32
    %mul3A_21 = arith.muli %arg1, %mul3A_20 : i32
    %add3A_22 = arith.constant 384 : i32
    %add3A_23 = arith.addi %mul3A_21, %add3A_22 : i32
    "tpu.region"() ({
      %run_scoped3A = tpu.sem_alloc : memref<!tpu.dma_semaphore, #tpu.memory_space<semaphore_mem>>
      %dma_start3A_80 = arith.constant 0 : i32
      %dma_start3A_81 = tpu.memref_slice %arg12[%add3A_23, %dma_start3A_80] : memref<10240x128xf32, #tpu.memory_space<vmem_shared>> -> memref<128x128xf32, #tpu.memory_space<vmem_shared>>
      %dma_start3A_82 = arith.constant 0 : i32
      %dma_start3A_83 = tpu.memref_slice %arg12[%add3A_23, %dma_start3A_82] : memref<10240x128xf32, #tpu.memory_space<vmem_shared>> -> memref<128x128xf32, #tpu.memory_space<vmem_shared>>
      tpu.enqueue_dma source(%arg10 : memref<128x128xf32, #tpu.memory_space<vmem>>) target(%dma_start3A_83 : memref<128x128xf32, #tpu.memory_space<vmem_shared>>) target_semaphore(%run_scoped3A : memref<!tpu.dma_semaphore, #tpu.memory_space<semaphore_mem>>)
      %dma_wait3A_84 = arith.constant 0 : i32
      %dma_wait3A_85 = tpu.memref_slice %arg12[%add3A_23, %dma_wait3A_84] : memref<10240x128xf32, #tpu.memory_space<vmem_shared>> -> memref<128x128xf32, #tpu.memory_space<vmem_shared>>
      %dma_wait3A_86 = arith.constant 0 : i32
      %dma_wait3A_87 = tpu.memref_slice %arg12[%add3A_23, %dma_wait3A_86] : memref<10240x128xf32, #tpu.memory_space<vmem_shared>> -> memref<128x128xf32, #tpu.memory_space<vmem_shared>>
      tpu.wait_dma2 semaphore(%run_scoped3A : memref<!tpu.dma_semaphore, #tpu.memory_space<semaphore_mem>>) src(%arg10 : memref<128x128xf32, #tpu.memory_space<vmem>>) dst(%dma_wait3A_87 : memref<128x128xf32, #tpu.memory_space<vmem_shared>>)
      tpu.yield
    }) : () -> ()
    %mul3A_24 = arith.constant 640 : i32
    %mul3A_25 = arith.muli %arg1, %mul3A_24 : i32
    %add3A_26 = arith.constant 512 : i32
    %add3A_27 = arith.addi %mul3A_25, %add3A_26 : i32
    "tpu.region"() ({
      %run_scoped3A = tpu.sem_alloc : memref<!tpu.dma_semaphore, #tpu.memory_space<semaphore_mem>>
      %dma_start3A_80 = arith.constant 0 : i32
      %dma_start3A_81 = tpu.memref_slice %arg12[%add3A_27, %dma_start3A_80] : memref<10240x128xf32, #tpu.memory_space<vmem_shared>> -> memref<128x128xf32, #tpu.memory_space<vmem_shared>>
      %dma_start3A_82 = arith.constant 0 : i32
      %dma_start3A_83 = tpu.memref_slice %arg12[%add3A_27, %dma_start3A_82] : memref<10240x128xf32, #tpu.memory_space<vmem_shared>> -> memref<128x128xf32, #tpu.memory_space<vmem_shared>>
      tpu.enqueue_dma source(%arg10 : memref<128x128xf32, #tpu.memory_space<vmem>>) target(%dma_start3A_83 : memref<128x128xf32, #tpu.memory_space<vmem_shared>>) target_semaphore(%run_scoped3A : memref<!tpu.dma_semaphore, #tpu.memory_space<semaphore_mem>>)
      %dma_wait3A_84 = arith.constant 0 : i32
      %dma_wait3A_85 = tpu.memref_slice %arg12[%add3A_27, %dma_wait3A_84] : memref<10240x128xf32, #tpu.memory_space<vmem_shared>> -> memref<128x128xf32, #tpu.memory_space<vmem_shared>>
      %dma_wait3A_86 = arith.constant 0 : i32
      %dma_wait3A_87 = tpu.memref_slice %arg12[%add3A_27, %dma_wait3A_86] : memref<10240x128xf32, #tpu.memory_space<vmem_shared>> -> memref<128x128xf32, #tpu.memory_space<vmem_shared>>
      tpu.wait_dma2 semaphore(%run_scoped3A : memref<!tpu.dma_semaphore, #tpu.memory_space<semaphore_mem>>) src(%arg10 : memref<128x128xf32, #tpu.memory_space<vmem>>) dst(%dma_wait3A_87 : memref<128x128xf32, #tpu.memory_space<vmem_shared>>)
      tpu.yield
    }) : () -> ()
    %barrier3A = arith.constant 0 : index
    tpu.barrier barrier_id(%barrier3A)
    %add3A_28 = arith.constant 0 : i32
    %add3A_29 = arith.addi %mul3A_2, %add3A_28 : i32
    %mul3A_30 = arith.constant 128 : i32
    %mul3A_31 = arith.muli %add3A_29, %mul3A_30 : i32
    %dma_start3A = tpu.memref_slice %arg3[%mul3A_31] : memref<327680xi32, #tpu.memory_space<hbm>> -> memref<128xi32, #tpu.memory_space<hbm>>
    %dma_start3A_32 = tpu.memref_slice %arg3[%mul3A_31] : memref<327680xi32, #tpu.memory_space<hbm>> -> memref<128xi32, #tpu.memory_space<hbm>>
    tpu.enqueue_dma source(%dma_start3A_32 : memref<128xi32, #tpu.memory_space<hbm>>) target(%arg6 : memref<128xi32, #tpu.memory_space<vmem>>) target_semaphore(%arg13 : memref<!tpu.dma_semaphore, #tpu.memory_space<semaphore_mem>>)
    %dma_start3A_33 = tpu.memref_slice %arg4[%mul3A_31] : memref<327680xi32, #tpu.memory_space<hbm>> -> memref<128xi32, #tpu.memory_space<hbm>>
    %dma_start3A_34 = tpu.memref_slice %arg4[%mul3A_31] : memref<327680xi32, #tpu.memory_space<hbm>> -> memref<128xi32, #tpu.memory_space<hbm>>
    tpu.enqueue_dma source(%dma_start3A_34 : memref<128xi32, #tpu.memory_space<hbm>>) target(%arg7 : memref<128xi32, #tpu.memory_space<vmem>>) target_semaphore(%arg13 : memref<!tpu.dma_semaphore, #tpu.memory_space<semaphore_mem>>)
    %add3A_35 = arith.constant 1 : i32
    %add3A_36 = arith.addi %mul3A_2, %add3A_35 : i32
    %mul3A_37 = arith.constant 128 : i32
    %mul3A_38 = arith.muli %add3A_36, %mul3A_37 : i32
    %dma_start3A_39 = tpu.memref_slice %arg3[%mul3A_38] : memref<327680xi32, #tpu.memory_space<hbm>> -> memref<128xi32, #tpu.memory_space<hbm>>
    %dma_start3A_40 = tpu.memref_slice %arg3[%mul3A_38] : memref<327680xi32, #tpu.memory_space<hbm>> -> memref<128xi32, #tpu.memory_space<hbm>>
    tpu.enqueue_dma source(%dma_start3A_40 : memref<128xi32, #tpu.memory_space<hbm>>) target(%arg8 : memref<128xi32, #tpu.memory_space<vmem>>) target_semaphore(%arg14 : memref<!tpu.dma_semaphore, #tpu.memory_space<semaphore_mem>>)
    %dma_start3A_41 = tpu.memref_slice %arg4[%mul3A_38] : memref<327680xi32, #tpu.memory_space<hbm>> -> memref<128xi32, #tpu.memory_space<hbm>>
    %dma_start3A_42 = tpu.memref_slice %arg4[%mul3A_38] : memref<327680xi32, #tpu.memory_space<hbm>> -> memref<128xi32, #tpu.memory_space<hbm>>
    tpu.enqueue_dma source(%dma_start3A_42 : memref<128xi32, #tpu.memory_space<hbm>>) target(%arg9 : memref<128xi32, #tpu.memory_space<vmem>>) target_semaphore(%arg14 : memref<!tpu.dma_semaphore, #tpu.memory_space<semaphore_mem>>)
    %dma_wait3A = arith.constant 0 : i32
    %dma_wait3A_43 = tpu.memref_slice %arg3[%dma_wait3A] : memref<327680xi32, #tpu.memory_space<hbm>> -> memref<128xi32, #tpu.memory_space<hbm>>
    %dma_wait3A_44 = arith.constant 0 : i32
    %dma_wait3A_45 = tpu.memref_slice %arg3[%dma_wait3A_44] : memref<327680xi32, #tpu.memory_space<hbm>> -> memref<128xi32, #tpu.memory_space<hbm>>
    tpu.wait_dma2 semaphore(%arg13 : memref<!tpu.dma_semaphore, #tpu.memory_space<semaphore_mem>>) src(%dma_wait3A_45 : memref<128xi32, #tpu.memory_space<hbm>>) dst(%arg6 : memref<128xi32, #tpu.memory_space<vmem>>)
    %dma_wait3A_46 = arith.constant 0 : i32
    %dma_wait3A_47 = tpu.memref_slice %arg3[%dma_wait3A_46] : memref<327680xi32, #tpu.memory_space<hbm>> -> memref<128xi32, #tpu.memory_space<hbm>>
    %dma_wait3A_48 = arith.constant 0 : i32
    %dma_wait3A_49 = tpu.memref_slice %arg3[%dma_wait3A_48] : memref<327680xi32, #tpu.memory_space<hbm>> -> memref<128xi32, #tpu.memory_space<hbm>>
    tpu.wait_dma2 semaphore(%arg13 : memref<!tpu.dma_semaphore, #tpu.memory_space<semaphore_mem>>) src(%dma_wait3A_49 : memref<128xi32, #tpu.memory_space<hbm>>) dst(%arg7 : memref<128xi32, #tpu.memory_space<vmem>>)
    %dma_start3A_50 = arith.constant 0 : i32
    %dma_start3A_51 = arith.constant 0 : i32
    %dma_start3A_52 = tpu.memref_slice %arg2[%dma_start3A_50, %dma_start3A_51] : memref<10240x128xf32, #tpu.memory_space<hbm>> -> memref<10240x128xf32, #tpu.memory_space<hbm>>
    tpu.enqueue_indirect_dma source(%dma_start3A_52 : memref<10240x128xf32, #tpu.memory_space<hbm>>) target(%arg10 : memref<128x128xf32, #tpu.memory_space<vmem>>) offsets(%arg6 : memref<128xi32, #tpu.memory_space<vmem>>) semaphore(%arg15 : memref<!tpu.dma_semaphore, #tpu.memory_space<semaphore_mem>>)
    %dma_wait3A_53 = arith.constant 0 : i32
    %dma_wait3A_54 = tpu.memref_slice %arg3[%dma_wait3A_53] : memref<327680xi32, #tpu.memory_space<hbm>> -> memref<128xi32, #tpu.memory_space<hbm>>
    %dma_wait3A_55 = arith.constant 0 : i32
    %dma_wait3A_56 = tpu.memref_slice %arg3[%dma_wait3A_55] : memref<327680xi32, #tpu.memory_space<hbm>> -> memref<128xi32, #tpu.memory_space<hbm>>
    tpu.wait_dma2 semaphore(%arg14 : memref<!tpu.dma_semaphore, #tpu.memory_space<semaphore_mem>>) src(%dma_wait3A_56 : memref<128xi32, #tpu.memory_space<hbm>>) dst(%arg8 : memref<128xi32, #tpu.memory_space<vmem>>)
    %dma_wait3A_57 = arith.constant 0 : i32
    %dma_wait3A_58 = tpu.memref_slice %arg3[%dma_wait3A_57] : memref<327680xi32, #tpu.memory_space<hbm>> -> memref<128xi32, #tpu.memory_space<hbm>>
    %dma_wait3A_59 = arith.constant 0 : i32
    %dma_wait3A_60 = tpu.memref_slice %arg3[%dma_wait3A_59] : memref<327680xi32, #tpu.memory_space<hbm>> -> memref<128xi32, #tpu.memory_space<hbm>>
    tpu.wait_dma2 semaphore(%arg14 : memref<!tpu.dma_semaphore, #tpu.memory_space<semaphore_mem>>) src(%dma_wait3A_60 : memref<128xi32, #tpu.memory_space<hbm>>) dst(%arg9 : memref<128xi32, #tpu.memory_space<vmem>>)
    %dma_start3A_61 = arith.constant 0 : i32
    %dma_start3A_62 = arith.constant 0 : i32
    %dma_start3A_63 = tpu.memref_slice %arg2[%dma_start3A_61, %dma_start3A_62] : memref<10240x128xf32, #tpu.memory_space<hbm>> -> memref<10240x128xf32, #tpu.memory_space<hbm>>
    tpu.enqueue_indirect_dma source(%dma_start3A_63 : memref<10240x128xf32, #tpu.memory_space<hbm>>) target(%arg11 : memref<128x128xf32, #tpu.memory_space<vmem>>) offsets(%arg8 : memref<128xi32, #tpu.memory_space<vmem>>) semaphore(%arg16 : memref<!tpu.dma_semaphore, #tpu.memory_space<semaphore_mem>>)
    %scan3A_64 = arith.constant 0 : i32
    %scan3A_65 = arith.constant 39 : i32
    %scan3A_66 = arith.addi %scan3A_64, %scan3A_65 : i32
    %scan3A_67 = arith.constant 1 : i32
    scf.for %scan3A_80 = %scan3A_64 to %scan3A_66 step %scan3A_67  : i32 {
      %mul3A_81 = arith.constant 1 : i32
      %mul3A_82 = arith.muli %scan3A_80, %mul3A_81 : i32
      %add3A_83 = arith.constant 0 : i32
      %add3A_84 = arith.addi %add3A_83, %mul3A_82 : i32
      %mul3A_85 = arith.constant 2 : i32
      %mul3A_86 = arith.muli %mul3A_85, %add3A_84 : i32
      %dma_wait3A_87 = arith.constant 0 : i32
      %dma_wait3A_88 = arith.constant 0 : i32
      %dma_wait3A_89 = tpu.memref_slice %arg2[%dma_wait3A_87, %dma_wait3A_88] : memref<10240x128xf32, #tpu.memory_space<hbm>> -> memref<10240x128xf32, #tpu.memory_space<hbm>>
      tpu.wait_indirect_dma semaphore(%arg15 : memref<!tpu.dma_semaphore, #tpu.memory_space<semaphore_mem>>) src(%dma_wait3A_89 : memref<10240x128xf32, #tpu.memory_space<hbm>>) dst(%arg10 : memref<128x128xf32, #tpu.memory_space<vmem>>)
      "tpu.region"() ({
        %run_scoped3A = tpu.sem_alloc : memref<!tpu.dma_semaphore, #tpu.memory_space<semaphore_mem>>
        %dma_start3A_133 = arith.constant 0 : i32
        %dma_start3A_134 = arith.constant 0 : i32
        %dma_start3A_135 = tpu.memref_slice %arg12[%dma_start3A_133, %dma_start3A_134] : memref<10240x128xf32, #tpu.memory_space<vmem_shared>> -> memref<10240x128xf32, #tpu.memory_space<vmem_shared>>
        tpu.enqueue_indirect_dma source(%arg10 : memref<128x128xf32, #tpu.memory_space<vmem>>) target(%dma_start3A_135 : memref<10240x128xf32, #tpu.memory_space<vmem_shared>>) offsets(%arg7 : memref<128xi32, #tpu.memory_space<vmem>>) semaphore(%run_scoped3A : memref<!tpu.dma_semaphore, #tpu.memory_space<semaphore_mem>>) {add = true}
        %dma_wait3A_136 = arith.constant 0 : i32
        %dma_wait3A_137 = arith.constant 0 : i32
        %dma_wait3A_138 = tpu.memref_slice %arg12[%dma_wait3A_136, %dma_wait3A_137] : memref<10240x128xf32, #tpu.memory_space<vmem_shared>> -> memref<10240x128xf32, #tpu.memory_space<vmem_shared>>
        tpu.wait_indirect_dma semaphore(%run_scoped3A : memref<!tpu.dma_semaphore, #tpu.memory_space<semaphore_mem>>) src(%arg10 : memref<128x128xf32, #tpu.memory_space<vmem>>) dst(%dma_wait3A_138 : memref<10240x128xf32, #tpu.memory_space<vmem_shared>>)
        tpu.yield
      }) : () -> ()
      %add3A_90 = arith.constant 2 : i32
      %add3A_91 = arith.addi %mul3A_86, %add3A_90 : i32
      %add3A_92 = arith.addi %mul3A_2, %add3A_91 : i32
      %mul3A_93 = arith.constant 128 : i32
      %mul3A_94 = arith.muli %add3A_92, %mul3A_93 : i32
      %dma_start3A_95 = tpu.memref_slice %arg3[%mul3A_94] : memref<327680xi32, #tpu.memory_space<hbm>> -> memref<128xi32, #tpu.memory_space<hbm>>
      %dma_start3A_96 = tpu.memref_slice %arg3[%mul3A_94] : memref<327680xi32, #tpu.memory_space<hbm>> -> memref<128xi32, #tpu.memory_space<hbm>>
      tpu.enqueue_dma source(%dma_start3A_96 : memref<128xi32, #tpu.memory_space<hbm>>) target(%arg6 : memref<128xi32, #tpu.memory_space<vmem>>) target_semaphore(%arg13 : memref<!tpu.dma_semaphore, #tpu.memory_space<semaphore_mem>>)
      %dma_start3A_97 = tpu.memref_slice %arg4[%mul3A_94] : memref<327680xi32, #tpu.memory_space<hbm>> -> memref<128xi32, #tpu.memory_space<hbm>>
      %dma_start3A_98 = tpu.memref_slice %arg4[%mul3A_94] : memref<327680xi32, #tpu.memory_space<hbm>> -> memref<128xi32, #tpu.memory_space<hbm>>
      tpu.enqueue_dma source(%dma_start3A_98 : memref<128xi32, #tpu.memory_space<hbm>>) target(%arg7 : memref<128xi32, #tpu.memory_space<vmem>>) target_semaphore(%arg13 : memref<!tpu.dma_semaphore, #tpu.memory_space<semaphore_mem>>)
      %dma_wait3A_99 = arith.constant 0 : i32
      %dma_wait3A_100 = arith.constant 0 : i32
      %dma_wait3A_101 = tpu.memref_slice %arg2[%dma_wait3A_99, %dma_wait3A_100] : memref<10240x128xf32, #tpu.memory_space<hbm>> -> memref<10240x128xf32, #tpu.memory_space<hbm>>
      tpu.wait_indirect_dma semaphore(%arg16 : memref<!tpu.dma_semaphore, #tpu.memory_space<semaphore_mem>>) src(%dma_wait3A_101 : memref<10240x128xf32, #tpu.memory_space<hbm>>) dst(%arg11 : memref<128x128xf32, #tpu.memory_space<vmem>>)
      %dma_wait3A_102 = arith.constant 0 : i32
      %dma_wait3A_103 = tpu.memref_slice %arg3[%dma_wait3A_102] : memref<327680xi32, #tpu.memory_space<hbm>> -> memref<128xi32, #tpu.memory_space<hbm>>
      %dma_wait3A_104 = arith.constant 0 : i32
      %dma_wait3A_105 = tpu.memref_slice %arg3[%dma_wait3A_104] : memref<327680xi32, #tpu.memory_space<hbm>> -> memref<128xi32, #tpu.memory_space<hbm>>
      tpu.wait_dma2 semaphore(%arg13 : memref<!tpu.dma_semaphore, #tpu.memory_space<semaphore_mem>>) src(%dma_wait3A_105 : memref<128xi32, #tpu.memory_space<hbm>>) dst(%arg6 : memref<128xi32, #tpu.memory_space<vmem>>)
      %dma_wait3A_106 = arith.constant 0 : i32
      %dma_wait3A_107 = tpu.memref_slice %arg3[%dma_wait3A_106] : memref<327680xi32, #tpu.memory_space<hbm>> -> memref<128xi32, #tpu.memory_space<hbm>>
      %dma_wait3A_108 = arith.constant 0 : i32
      %dma_wait3A_109 = tpu.memref_slice %arg3[%dma_wait3A_108] : memref<327680xi32, #tpu.memory_space<hbm>> -> memref<128xi32, #tpu.memory_space<hbm>>
      tpu.wait_dma2 semaphore(%arg13 : memref<!tpu.dma_semaphore, #tpu.memory_space<semaphore_mem>>) src(%dma_wait3A_109 : memref<128xi32, #tpu.memory_space<hbm>>) dst(%arg7 : memref<128xi32, #tpu.memory_space<vmem>>)
      %dma_start3A_110 = arith.constant 0 : i32
      %dma_start3A_111 = arith.constant 0 : i32
      %dma_start3A_112 = tpu.memref_slice %arg2[%dma_start3A_110, %dma_start3A_111] : memref<10240x128xf32, #tpu.memory_space<hbm>> -> memref<10240x128xf32, #tpu.memory_space<hbm>>
      tpu.enqueue_indirect_dma source(%dma_start3A_112 : memref<10240x128xf32, #tpu.memory_space<hbm>>) target(%arg10 : memref<128x128xf32, #tpu.memory_space<vmem>>) offsets(%arg6 : memref<128xi32, #tpu.memory_space<vmem>>) semaphore(%arg15 : memref<!tpu.dma_semaphore, #tpu.memory_space<semaphore_mem>>)
      "tpu.region"() ({
        %run_scoped3A = tpu.sem_alloc : memref<!tpu.dma_semaphore, #tpu.memory_space<semaphore_mem>>
        %dma_start3A_133 = arith.constant 0 : i32
        %dma_start3A_134 = arith.constant 0 : i32
        %dma_start3A_135 = tpu.memref_slice %arg12[%dma_start3A_133, %dma_start3A_134] : memref<10240x128xf32, #tpu.memory_space<vmem_shared>> -> memref<10240x128xf32, #tpu.memory_space<vmem_shared>>
        tpu.enqueue_indirect_dma source(%arg11 : memref<128x128xf32, #tpu.memory_space<vmem>>) target(%dma_start3A_135 : memref<10240x128xf32, #tpu.memory_space<vmem_shared>>) offsets(%arg9 : memref<128xi32, #tpu.memory_space<vmem>>) semaphore(%run_scoped3A : memref<!tpu.dma_semaphore, #tpu.memory_space<semaphore_mem>>) {add = true}
        %dma_wait3A_136 = arith.constant 0 : i32
        %dma_wait3A_137 = arith.constant 0 : i32
        %dma_wait3A_138 = tpu.memref_slice %arg12[%dma_wait3A_136, %dma_wait3A_137] : memref<10240x128xf32, #tpu.memory_space<vmem_shared>> -> memref<10240x128xf32, #tpu.memory_space<vmem_shared>>
        tpu.wait_indirect_dma semaphore(%run_scoped3A : memref<!tpu.dma_semaphore, #tpu.memory_space<semaphore_mem>>) src(%arg11 : memref<128x128xf32, #tpu.memory_space<vmem>>) dst(%dma_wait3A_138 : memref<10240x128xf32, #tpu.memory_space<vmem_shared>>)
        tpu.yield
      }) : () -> ()
      %add3A_113 = arith.constant 3 : i32
      %add3A_114 = arith.addi %mul3A_86, %add3A_113 : i32
      %add3A_115 = arith.addi %mul3A_2, %add3A_114 : i32
      %mul3A_116 = arith.constant 128 : i32
      %mul3A_117 = arith.muli %add3A_115, %mul3A_116 : i32
      %dma_start3A_118 = tpu.memref_slice %arg3[%mul3A_117] : memref<327680xi32, #tpu.memory_space<hbm>> -> memref<128xi32, #tpu.memory_space<hbm>>
      %dma_start3A_119 = tpu.memref_slice %arg3[%mul3A_117] : memref<327680xi32, #tpu.memory_space<hbm>> -> memref<128xi32, #tpu.memory_space<hbm>>
      tpu.enqueue_dma source(%dma_start3A_119 : memref<128xi32, #tpu.memory_space<hbm>>) target(%arg8 : memref<128xi32, #tpu.memory_space<vmem>>) target_semaphore(%arg14 : memref<!tpu.dma_semaphore, #tpu.memory_space<semaphore_mem>>)
      %dma_start3A_120 = tpu.memref_slice %arg4[%mul3A_117] : memref<327680xi32, #tpu.memory_space<hbm>> -> memref<128xi32, #tpu.memory_space<hbm>>
      %dma_start3A_121 = tpu.memref_slice %arg4[%mul3A_117] : memref<327680xi32, #tpu.memory_space<hbm>> -> memref<128xi32, #tpu.memory_space<hbm>>
      tpu.enqueue_dma source(%dma_start3A_121 : memref<128xi32, #tpu.memory_space<hbm>>) target(%arg9 : memref<128xi32, #tpu.memory_space<vmem>>) target_semaphore(%arg14 : memref<!tpu.dma_semaphore, #tpu.memory_space<semaphore_mem>>)
      %dma_wait3A_122 = arith.constant 0 : i32
      %dma_wait3A_123 = tpu.memref_slice %arg3[%dma_wait3A_122] : memref<327680xi32, #tpu.memory_space<hbm>> -> memref<128xi32, #tpu.memory_space<hbm>>
      %dma_wait3A_124 = arith.constant 0 : i32
      %dma_wait3A_125 = tpu.memref_slice %arg3[%dma_wait3A_124] : memref<327680xi32, #tpu.memory_space<hbm>> -> memref<128xi32, #tpu.memory_space<hbm>>
      tpu.wait_dma2 semaphore(%arg14 : memref<!tpu.dma_semaphore, #tpu.memory_space<semaphore_mem>>) src(%dma_wait3A_125 : memref<128xi32, #tpu.memory_space<hbm>>) dst(%arg8 : memref<128xi32, #tpu.memory_space<vmem>>)
      %dma_wait3A_126 = arith.constant 0 : i32
      %dma_wait3A_127 = tpu.memref_slice %arg3[%dma_wait3A_126] : memref<327680xi32, #tpu.memory_space<hbm>> -> memref<128xi32, #tpu.memory_space<hbm>>
      %dma_wait3A_128 = arith.constant 0 : i32
      %dma_wait3A_129 = tpu.memref_slice %arg3[%dma_wait3A_128] : memref<327680xi32, #tpu.memory_space<hbm>> -> memref<128xi32, #tpu.memory_space<hbm>>
      tpu.wait_dma2 semaphore(%arg14 : memref<!tpu.dma_semaphore, #tpu.memory_space<semaphore_mem>>) src(%dma_wait3A_129 : memref<128xi32, #tpu.memory_space<hbm>>) dst(%arg9 : memref<128xi32, #tpu.memory_space<vmem>>)
      %dma_start3A_130 = arith.constant 0 : i32
      %dma_start3A_131 = arith.constant 0 : i32
      %dma_start3A_132 = tpu.memref_slice %arg2[%dma_start3A_130, %dma_start3A_131] : memref<10240x128xf32, #tpu.memory_space<hbm>> -> memref<10240x128xf32, #tpu.memory_space<hbm>>
      tpu.enqueue_indirect_dma source(%dma_start3A_132 : memref<10240x128xf32, #tpu.memory_space<hbm>>) target(%arg11 : memref<128x128xf32, #tpu.memory_space<vmem>>) offsets(%arg8 : memref<128xi32, #tpu.memory_space<vmem>>) semaphore(%arg16 : memref<!tpu.dma_semaphore, #tpu.memory_space<semaphore_mem>>)
    }
    %scan3A_68 = arith.constant 39 : i32
    %dma_wait3A_69 = arith.constant 0 : i32
    %dma_wait3A_70 = arith.constant 0 : i32
    %dma_wait3A_71 = tpu.memref_slice %arg2[%dma_wait3A_69, %dma_wait3A_70] : memref<10240x128xf32, #tpu.memory_space<hbm>> -> memref<10240x128xf32, #tpu.memory_space<hbm>>
    tpu.wait_indirect_dma semaphore(%arg15 : memref<!tpu.dma_semaphore, #tpu.memory_space<semaphore_mem>>) src(%dma_wait3A_71 : memref<10240x128xf32, #tpu.memory_space<hbm>>) dst(%arg10 : memref<128x128xf32, #tpu.memory_space<vmem>>)
    "tpu.region"() ({
      %run_scoped3A = tpu.sem_alloc : memref<!tpu.dma_semaphore, #tpu.memory_space<semaphore_mem>>
      %dma_start3A_80 = arith.constant 0 : i32
      %dma_start3A_81 = arith.constant 0 : i32
      %dma_start3A_82 = tpu.memref_slice %arg12[%dma_start3A_80, %dma_start3A_81] : memref<10240x128xf32, #tpu.memory_space<vmem_shared>> -> memref<10240x128xf32, #tpu.memory_space<vmem_shared>>
      tpu.enqueue_indirect_dma source(%arg10 : memref<128x128xf32, #tpu.memory_space<vmem>>) target(%dma_start3A_82 : memref<10240x128xf32, #tpu.memory_space<vmem_shared>>) offsets(%arg7 : memref<128xi32, #tpu.memory_space<vmem>>) semaphore(%run_scoped3A : memref<!tpu.dma_semaphore, #tpu.memory_space<semaphore_mem>>) {add = true}
      %dma_wait3A_83 = arith.constant 0 : i32
      %dma_wait3A_84 = arith.constant 0 : i32
      %dma_wait3A_85 = tpu.memref_slice %arg12[%dma_wait3A_83, %dma_wait3A_84] : memref<10240x128xf32, #tpu.memory_space<vmem_shared>> -> memref<10240x128xf32, #tpu.memory_space<vmem_shared>>
      tpu.wait_indirect_dma semaphore(%run_scoped3A : memref<!tpu.dma_semaphore, #tpu.memory_space<semaphore_mem>>) src(%arg10 : memref<128x128xf32, #tpu.memory_space<vmem>>) dst(%dma_wait3A_85 : memref<10240x128xf32, #tpu.memory_space<vmem_shared>>)
      tpu.yield
    }) : () -> ()
    %dma_wait3A_72 = arith.constant 0 : i32
    %dma_wait3A_73 = arith.constant 0 : i32
    %dma_wait3A_74 = tpu.memref_slice %arg2[%dma_wait3A_72, %dma_wait3A_73] : memref<10240x128xf32, #tpu.memory_space<hbm>> -> memref<10240x128xf32, #tpu.memory_space<hbm>>
    tpu.wait_indirect_dma semaphore(%arg16 : memref<!tpu.dma_semaphore, #tpu.memory_space<semaphore_mem>>) src(%dma_wait3A_74 : memref<10240x128xf32, #tpu.memory_space<hbm>>) dst(%arg11 : memref<128x128xf32, #tpu.memory_space<vmem>>)
    "tpu.region"() ({
      %run_scoped3A = tpu.sem_alloc : memref<!tpu.dma_semaphore, #tpu.memory_space<semaphore_mem>>
      %dma_start3A_80 = arith.constant 0 : i32
      %dma_start3A_81 = arith.constant 0 : i32
      %dma_start3A_82 = tpu.memref_slice %arg12[%dma_start3A_80, %dma_start3A_81] : memref<10240x128xf32, #tpu.memory_space<vmem_shared>> -> memref<10240x128xf32, #tpu.memory_space<vmem_shared>>
      tpu.enqueue_indirect_dma source(%arg11 : memref<128x128xf32, #tpu.memory_space<vmem>>) target(%dma_start3A_82 : memref<10240x128xf32, #tpu.memory_space<vmem_shared>>) offsets(%arg9 : memref<128xi32, #tpu.memory_space<vmem>>) semaphore(%run_scoped3A : memref<!tpu.dma_semaphore, #tpu.memory_space<semaphore_mem>>) {add = true}
      %dma_wait3A_83 = arith.constant 0 : i32
      %dma_wait3A_84 = arith.constant 0 : i32
      %dma_wait3A_85 = tpu.memref_slice %arg12[%dma_wait3A_83, %dma_wait3A_84] : memref<10240x128xf32, #tpu.memory_space<vmem_shared>> -> memref<10240x128xf32, #tpu.memory_space<vmem_shared>>
      tpu.wait_indirect_dma semaphore(%run_scoped3A : memref<!tpu.dma_semaphore, #tpu.memory_space<semaphore_mem>>) src(%arg11 : memref<128x128xf32, #tpu.memory_space<vmem>>) dst(%dma_wait3A_85 : memref<10240x128xf32, #tpu.memory_space<vmem_shared>>)
      tpu.yield
    }) : () -> ()
    %barrier3A_75 = arith.constant 0 : index
    tpu.barrier barrier_id(%barrier3A_75)
    %mul3A_76 = arith.constant 640 : i32
    %mul3A_77 = arith.muli %arg1, %mul3A_76 : i32
    %mul3A_78 = arith.constant 640 : i32
    %mul3A_79 = arith.muli %arg1, %mul3A_78 : i32
    "tpu.region"() ({
      %run_scoped3A = tpu.sem_alloc : memref<!tpu.dma_semaphore, #tpu.memory_space<semaphore_mem>>
      %dma_start3A_80 = arith.constant 0 : i32
      %dma_start3A_81 = tpu.memref_slice %arg5[%arg0, %mul3A_79, %dma_start3A_80] : memref<2x10240x128xf32, #tpu.memory_space<hbm>> -> memref<1x640x128xf32, #tpu.memory_space<hbm>>
      %dma_start3A_82 = tpu.memref_squeeze %dma_start3A_81 : memref<1x640x128xf32, #tpu.memory_space<hbm>> -> memref<640x128xf32, #tpu.memory_space<hbm>>
      %dma_start3A_83 = arith.constant 0 : i32
      %dma_start3A_84 = tpu.memref_slice %arg12[%mul3A_77, %dma_start3A_83] : memref<10240x128xf32, #tpu.memory_space<vmem_shared>> -> memref<640x128xf32, #tpu.memory_space<vmem_shared>>
      tpu.enqueue_dma source(%dma_start3A_84 : memref<640x128xf32, #tpu.memory_space<vmem_shared>>) target(%dma_start3A_82 : memref<640x128xf32, #tpu.memory_space<hbm>>) target_semaphore(%run_scoped3A : memref<!tpu.dma_semaphore, #tpu.memory_space<semaphore_mem>>)
      %dma_wait3A_85 = arith.constant 0 : i32
      %dma_wait3A_86 = tpu.memref_slice %arg5[%arg0, %mul3A_79, %dma_wait3A_85] : memref<2x10240x128xf32, #tpu.memory_space<hbm>> -> memref<1x640x128xf32, #tpu.memory_space<hbm>>
      %dma_wait3A_87 = tpu.memref_squeeze %dma_wait3A_86 : memref<1x640x128xf32, #tpu.memory_space<hbm>> -> memref<640x128xf32, #tpu.memory_space<hbm>>
      %dma_wait3A_88 = arith.constant 0 : i32
      %dma_wait3A_89 = tpu.memref_slice %arg12[%mul3A_77, %dma_wait3A_88] : memref<10240x128xf32, #tpu.memory_space<vmem_shared>> -> memref<640x128xf32, #tpu.memory_space<vmem_shared>>
      tpu.wait_dma2 semaphore(%run_scoped3A : memref<!tpu.dma_semaphore, #tpu.memory_space<semaphore_mem>>) src(%dma_wait3A_89 : memref<640x128xf32, #tpu.memory_space<vmem_shared>>) dst(%dma_wait3A_87 : memref<640x128xf32, #tpu.memory_space<hbm>>)
      tpu.yield
    }) : () -> ()
    return
  }
}

module attributes {stable_mosaic.version = 14 : i64} {
  func.func @body(%arg0: i32, %arg1: memref<1024x128xf32, #tpu.memory_space<vmem>>, %arg2: memref<128x128xf32, #tpu.memory_space<vmem>>, %arg3: memref<2x1024xf32, #tpu.memory_space<vmem>>, %arg4: memref<1024x128xf32, #tpu.memory_space<vmem>>) attributes {dimension_semantics = [#tpu.dimension_semantics<arbitrary>], iteration_bounds = array<i64: 10>, scalar_prefetch = 0 : i64, scratch_operands = 0 : i64, tpu.core_type = #tpu.core_type<tc>, window_params = [{transform_indices = @transform_0, window_bounds = array<i64: 1024, 128>}, {pipeline_mode = #tpu.pipeline_mode<synchronous>, transform_indices = @transform_1, window_bounds = array<i64: 128, 128>}, {transform_indices = @transform_2, window_bounds = array<i64: 2, 1024>}, {transform_indices = @transform_3, window_bounds = array<i64: 1024, 128>}]} {
    %get3A = arith.constant 0 : index
    %get3A_0 = arith.constant 0 : index
    %get3A_1 = vector.load %arg1[%get3A, %get3A_0] : memref<1024x128xf32, #tpu.memory_space<vmem>>, vector<1024x128xf32>
    %get3A_2 = arith.constant 0 : index
    %get3A_3 = arith.constant 0 : index
    %get3A_4 = vector.load %arg2[%get3A_2, %get3A_3] : memref<128x128xf32, #tpu.memory_space<vmem>>, vector<128x128xf32>
    %dot_general3A = arith.constant dense<0.000000e+00> : vector<1024x128xf32>
    %dot_general3A_5 = tpu.matmul %get3A_1, %get3A_4, %dot_general3A {dimension_numbers = #tpu.dot_dimension_numbers<[1], [0], [0], [1], [0, 0, 1, 1], [], []>, transpose_lhs_hint = false} : vector<1024x128xf32>, vector<128x128xf32>, vector<1024x128xf32> -> vector<1024x128xf32>
    %get3A_6 = arith.constant 0 : index
    %get3A_7 = arith.constant 0 : index
    %get3A_8 = vector.load %arg3[%get3A_6, %get3A_7] : memref<2x1024xf32, #tpu.memory_space<vmem>>, vector<1x1024xf32>
    %get3A_9 = vector.shape_cast %get3A_8 : vector<1x1024xf32> to vector<1024xf32>
    %get3A_10 = arith.constant 1 : index
    %get3A_11 = arith.constant 0 : index
    %get3A_12 = vector.load %arg3[%get3A_10, %get3A_11] : memref<2x1024xf32, #tpu.memory_space<vmem>>, vector<1x1024xf32>
    %get3A_13 = vector.shape_cast %get3A_12 : vector<1x1024xf32> to vector<1024xf32>
    %add3A = arith.addf %get3A_9, %get3A_13 : vector<1024xf32>
    %add3A_14 = arith.constant 1.000000e+00 : f32
    %add3A_15 = vector.broadcast %add3A_14 : f32 to vector<1024xf32>
    %add3A_16 = arith.addf %add3A, %add3A_15 : vector<1024xf32>
    %rsqrt3A = math.rsqrt %add3A_16 : vector<1024xf32>
    %broadcast_in_dim3A = vector.shape_cast %rsqrt3A : vector<1024xf32> to vector<1024x1xf32>
    %mul3A = vector.broadcast %broadcast_in_dim3A : vector<1024x1xf32> to vector<1024x128xf32>
    %mul3A_17 = arith.mulf %dot_general3A_5, %mul3A : vector<1024x128xf32>
    %swap3A = arith.constant 0 : index
    %swap3A_18 = arith.constant 0 : index
    %swap3A_19 = vector.load %arg4[%swap3A, %swap3A_18] : memref<1024x128xf32, #tpu.memory_space<vmem>>, vector<1024x128xf32>
    tpu.vector_store %arg4[%swap3A, %swap3A_18], %mul3A_17 {strides = array<i32>} : memref<1024x128xf32, #tpu.memory_space<vmem>>, vector<1024x128xf32>,
    return
  }
  func.func @transform_0(%arg0: i32) -> (i32, i32) {
    %c0_i32 = arith.constant 0 : i32
    %c0_i32_0 = arith.constant 0 : i32
    return %arg0, %c0_i32 : i32, i32
  }
  func.func @transform_1(%arg0: i32) -> (i32, i32) {
    %c0_i32 = arith.constant 0 : i32
    %c0_i32_0 = arith.constant 0 : i32
    %c0_i32_1 = arith.constant 0 : i32
    return %c0_i32, %c0_i32_0 : i32, i32
  }
  func.func @transform_2(%arg0: i32) -> (i32, i32) {
    %c0_i32 = arith.constant 0 : i32
    %c0_i32_0 = arith.constant 0 : i32
    return %c0_i32, %arg0 : i32, i32
  }
  func.func @transform_3(%arg0: i32) -> (i32, i32) {
    %c0_i32 = arith.constant 0 : i32
    %c0_i32_0 = arith.constant 0 : i32
    return %arg0, %c0_i32 : i32, i32
  }
}

module attributes {stable_mosaic.version = 14 : i64} {
  func.func @body(%arg0: i32, %arg1: memref<2x1024x128xf32, #tpu.memory_space<vmem>>, %arg2: memref<1024x128xf32, #tpu.memory_space<vmem>>, %arg3: memref<2x1024xf32, #tpu.memory_space<vmem>>, %arg4: memref<1x128xf32, #tpu.memory_space<vmem>>, %arg5: memref<1024x128xf32, #tpu.memory_space<vmem>>) attributes {dimension_semantics = [#tpu.dimension_semantics<arbitrary>], iteration_bounds = array<i64: 10>, scalar_prefetch = 0 : i64, scratch_operands = 0 : i64, tpu.core_type = #tpu.core_type<tc>, window_params = [{transform_indices = @transform_0, window_bounds = array<i64: 2, 1024, 128>}, {transform_indices = @transform_1, window_bounds = array<i64: 1024, 128>}, {transform_indices = @transform_2, window_bounds = array<i64: 2, 1024>}, {pipeline_mode = #tpu.pipeline_mode<synchronous>, transform_indices = @transform_3, window_bounds = array<i64: 1, 128>}, {transform_indices = @transform_4, window_bounds = array<i64: 1024, 128>}]} {
    %get3A = arith.constant 0 : index
    %get3A_0 = arith.constant 0 : index
    %get3A_1 = vector.load %arg3[%get3A, %get3A_0] : memref<2x1024xf32, #tpu.memory_space<vmem>>, vector<1x1024xf32>
    %get3A_2 = vector.shape_cast %get3A_1 : vector<1x1024xf32> to vector<1024xf32>
    %get3A_3 = arith.constant 1 : index
    %get3A_4 = arith.constant 0 : index
    %get3A_5 = vector.load %arg3[%get3A_3, %get3A_4] : memref<2x1024xf32, #tpu.memory_space<vmem>>, vector<1x1024xf32>
    %get3A_6 = vector.shape_cast %get3A_5 : vector<1x1024xf32> to vector<1024xf32>
    %add3A = arith.addf %get3A_2, %get3A_6 : vector<1024xf32>
    %add3A_7 = arith.constant 1.000000e+00 : f32
    %add3A_8 = vector.broadcast %add3A_7 : f32 to vector<1024xf32>
    %add3A_9 = arith.addf %add3A, %add3A_8 : vector<1024xf32>
    %rsqrt3A = math.rsqrt %add3A_9 : vector<1024xf32>
    %broadcast_in_dim3A = vector.shape_cast %rsqrt3A : vector<1024xf32> to vector<1024x1xf32>
    %get3A_10 = arith.constant 0 : index
    %get3A_11 = arith.constant 0 : index
    %get3A_12 = arith.constant 0 : index
    %get3A_13 = vector.load %arg1[%get3A_10, %get3A_11, %get3A_12] : memref<2x1024x128xf32, #tpu.memory_space<vmem>>, vector<1x1024x128xf32>
    %get3A_14 = vector.shape_cast %get3A_13 : vector<1x1024x128xf32> to vector<1024x128xf32>
    %get3A_15 = arith.constant 1 : index
    %get3A_16 = arith.constant 0 : index
    %get3A_17 = arith.constant 0 : index
    %get3A_18 = vector.load %arg1[%get3A_15, %get3A_16, %get3A_17] : memref<2x1024x128xf32, #tpu.memory_space<vmem>>, vector<1x1024x128xf32>
    %get3A_19 = vector.shape_cast %get3A_18 : vector<1x1024x128xf32> to vector<1024x128xf32>
    %add3A_20 = arith.addf %get3A_14, %get3A_19 : vector<1024x128xf32>
    %get3A_21 = arith.constant 0 : index
    %get3A_22 = arith.constant 0 : index
    %get3A_23 = vector.load %arg2[%get3A_21, %get3A_22] : memref<1024x128xf32, #tpu.memory_space<vmem>>, vector<1024x128xf32>
    %add3A_24 = arith.addf %add3A_20, %get3A_23 : vector<1024x128xf32>
    %mul3A = vector.broadcast %broadcast_in_dim3A : vector<1024x1xf32> to vector<1024x128xf32>
    %mul3A_25 = arith.mulf %mul3A, %add3A_24 : vector<1024x128xf32>
    %get3A_26 = arith.constant 0 : index
    %get3A_27 = arith.constant 0 : index
    %get3A_28 = vector.load %arg4[%get3A_26, %get3A_27] : memref<1x128xf32, #tpu.memory_space<vmem>>, vector<1x128xf32>
    %add3A_29 = vector.broadcast %get3A_28 : vector<1x128xf32> to vector<1024x128xf32>
    %add3A_30 = arith.addf %mul3A_25, %add3A_29 : vector<1024x128xf32>
    %max3A = arith.constant 0.000000e+00 : f32
    %max3A_31 = vector.broadcast %max3A : f32 to vector<1024x128xf32>
    %max3A_32 = arith.maximumf %add3A_30, %max3A_31 : vector<1024x128xf32>
    %swap3A = arith.constant 0 : index
    %swap3A_33 = arith.constant 0 : index
    %swap3A_34 = vector.load %arg5[%swap3A, %swap3A_33] : memref<1024x128xf32, #tpu.memory_space<vmem>>, vector<1024x128xf32>
    tpu.vector_store %arg5[%swap3A, %swap3A_33], %max3A_32 {strides = array<i32>} : memref<1024x128xf32, #tpu.memory_space<vmem>>, vector<1024x128xf32>,
    return
  }
  func.func @transform_0(%arg0: i32) -> (i32, i32, i32) {
    %c0_i32 = arith.constant 0 : i32
    %c0_i32_0 = arith.constant 0 : i32
    %c0_i32_1 = arith.constant 0 : i32
    return %c0_i32, %arg0, %c0_i32_0 : i32, i32, i32
  }
  func.func @transform_1(%arg0: i32) -> (i32, i32) {
    %c0_i32 = arith.constant 0 : i32
    %c0_i32_0 = arith.constant 0 : i32
    return %arg0, %c0_i32 : i32, i32
  }
  func.func @transform_2(%arg0: i32) -> (i32, i32) {
    %c0_i32 = arith.constant 0 : i32
    %c0_i32_0 = arith.constant 0 : i32
    return %c0_i32, %arg0 : i32, i32
  }
  func.func @transform_3(%arg0: i32) -> (i32, i32) {
    %c0_i32 = arith.constant 0 : i32
    %c0_i32_0 = arith.constant 0 : i32
    %c0_i32_1 = arith.constant 0 : i32
    return %c0_i32, %c0_i32_0 : i32, i32
  }
  func.func @transform_4(%arg0: i32) -> (i32, i32) {
    %c0_i32 = arith.constant 0 : i32
    %c0_i32_0 = arith.constant 0 : i32
    return %arg0, %c0_i32 : i32, i32
  }
}

module attributes {stable_mosaic.version = 14 : i64} {
  func.func @body(%arg0: i32, %arg1: memref<2x1024x128xf32, #tpu.memory_space<vmem>>, %arg2: memref<1024x128xf32, #tpu.memory_space<vmem>>, %arg3: memref<2x1024xf32, #tpu.memory_space<vmem>>, %arg4: memref<1x128xf32, #tpu.memory_space<vmem>>, %arg5: memref<128x128xf32, #tpu.memory_space<vmem>>, %arg6: memref<1024x128xf32, #tpu.memory_space<vmem>>) attributes {dimension_semantics = [#tpu.dimension_semantics<arbitrary>], iteration_bounds = array<i64: 10>, scalar_prefetch = 0 : i64, scratch_operands = 0 : i64, tpu.core_type = #tpu.core_type<tc>, window_params = [{transform_indices = @transform_0, window_bounds = array<i64: 2, 1024, 128>}, {transform_indices = @transform_1, window_bounds = array<i64: 1024, 128>}, {transform_indices = @transform_2, window_bounds = array<i64: 2, 1024>}, {pipeline_mode = #tpu.pipeline_mode<synchronous>, transform_indices = @transform_3, window_bounds = array<i64: 1, 128>}, {pipeline_mode = #tpu.pipeline_mode<synchronous>, transform_indices = @transform_4, window_bounds = array<i64: 128, 128>}, {transform_indices = @transform_5, window_bounds = array<i64: 1024, 128>}]} {
    %get3A = arith.constant 0 : index
    %get3A_0 = arith.constant 0 : index
    %get3A_1 = vector.load %arg3[%get3A, %get3A_0] : memref<2x1024xf32, #tpu.memory_space<vmem>>, vector<1x1024xf32>
    %get3A_2 = vector.shape_cast %get3A_1 : vector<1x1024xf32> to vector<1024xf32>
    %get3A_3 = arith.constant 1 : index
    %get3A_4 = arith.constant 0 : index
    %get3A_5 = vector.load %arg3[%get3A_3, %get3A_4] : memref<2x1024xf32, #tpu.memory_space<vmem>>, vector<1x1024xf32>
    %get3A_6 = vector.shape_cast %get3A_5 : vector<1x1024xf32> to vector<1024xf32>
    %add3A = arith.addf %get3A_2, %get3A_6 : vector<1024xf32>
    %add3A_7 = arith.constant 1.000000e+00 : f32
    %add3A_8 = vector.broadcast %add3A_7 : f32 to vector<1024xf32>
    %add3A_9 = arith.addf %add3A, %add3A_8 : vector<1024xf32>
    %rsqrt3A = math.rsqrt %add3A_9 : vector<1024xf32>
    %broadcast_in_dim3A = vector.shape_cast %rsqrt3A : vector<1024xf32> to vector<1024x1xf32>
    %get3A_10 = arith.constant 0 : index
    %get3A_11 = arith.constant 0 : index
    %get3A_12 = arith.constant 0 : index
    %get3A_13 = vector.load %arg1[%get3A_10, %get3A_11, %get3A_12] : memref<2x1024x128xf32, #tpu.memory_space<vmem>>, vector<1x1024x128xf32>
    %get3A_14 = vector.shape_cast %get3A_13 : vector<1x1024x128xf32> to vector<1024x128xf32>
    %get3A_15 = arith.constant 1 : index
    %get3A_16 = arith.constant 0 : index
    %get3A_17 = arith.constant 0 : index
    %get3A_18 = vector.load %arg1[%get3A_15, %get3A_16, %get3A_17] : memref<2x1024x128xf32, #tpu.memory_space<vmem>>, vector<1x1024x128xf32>
    %get3A_19 = vector.shape_cast %get3A_18 : vector<1x1024x128xf32> to vector<1024x128xf32>
    %add3A_20 = arith.addf %get3A_14, %get3A_19 : vector<1024x128xf32>
    %get3A_21 = arith.constant 0 : index
    %get3A_22 = arith.constant 0 : index
    %get3A_23 = vector.load %arg2[%get3A_21, %get3A_22] : memref<1024x128xf32, #tpu.memory_space<vmem>>, vector<1024x128xf32>
    %add3A_24 = arith.addf %add3A_20, %get3A_23 : vector<1024x128xf32>
    %mul3A = vector.broadcast %broadcast_in_dim3A : vector<1024x1xf32> to vector<1024x128xf32>
    %mul3A_25 = arith.mulf %mul3A, %add3A_24 : vector<1024x128xf32>
    %get3A_26 = arith.constant 0 : index
    %get3A_27 = arith.constant 0 : index
    %get3A_28 = vector.load %arg4[%get3A_26, %get3A_27] : memref<1x128xf32, #tpu.memory_space<vmem>>, vector<1x128xf32>
    %add3A_29 = vector.broadcast %get3A_28 : vector<1x128xf32> to vector<1024x128xf32>
    %add3A_30 = arith.addf %mul3A_25, %add3A_29 : vector<1024x128xf32>
    %max3A = arith.constant 0.000000e+00 : f32
    %max3A_31 = vector.broadcast %max3A : f32 to vector<1024x128xf32>
    %max3A_32 = arith.maximumf %add3A_30, %max3A_31 : vector<1024x128xf32>
    %get3A_33 = arith.constant 0 : index
    %get3A_34 = arith.constant 0 : index
    %get3A_35 = vector.load %arg5[%get3A_33, %get3A_34] : memref<128x128xf32, #tpu.memory_space<vmem>>, vector<128x128xf32>
    %dot_general3A = arith.constant dense<0.000000e+00> : vector<1024x128xf32>
    %dot_general3A_36 = tpu.matmul %max3A_32, %get3A_35, %dot_general3A {dimension_numbers = #tpu.dot_dimension_numbers<[1], [0], [0], [1], [0, 0, 1, 1], [], []>, transpose_lhs_hint = false} : vector<1024x128xf32>, vector<128x128xf32>, vector<1024x128xf32> -> vector<1024x128xf32>
    %mul3A_37 = vector.broadcast %broadcast_in_dim3A : vector<1024x1xf32> to vector<1024x128xf32>
    %mul3A_38 = arith.mulf %dot_general3A_36, %mul3A_37 : vector<1024x128xf32>
    %swap3A = arith.constant 0 : index
    %swap3A_39 = arith.constant 0 : index
    %swap3A_40 = vector.load %arg6[%swap3A, %swap3A_39] : memref<1024x128xf32, #tpu.memory_space<vmem>>, vector<1024x128xf32>
    tpu.vector_store %arg6[%swap3A, %swap3A_39], %mul3A_38 {strides = array<i32>} : memref<1024x128xf32, #tpu.memory_space<vmem>>, vector<1024x128xf32>,
    return
  }
  func.func @transform_0(%arg0: i32) -> (i32, i32, i32) {
    %c0_i32 = arith.constant 0 : i32
    %c0_i32_0 = arith.constant 0 : i32
    %c0_i32_1 = arith.constant 0 : i32
    return %c0_i32, %arg0, %c0_i32_0 : i32, i32, i32
  }
  func.func @transform_1(%arg0: i32) -> (i32, i32) {
    %c0_i32 = arith.constant 0 : i32
    %c0_i32_0 = arith.constant 0 : i32
    return %arg0, %c0_i32 : i32, i32
  }
  func.func @transform_2(%arg0: i32) -> (i32, i32) {
    %c0_i32 = arith.constant 0 : i32
    %c0_i32_0 = arith.constant 0 : i32
    return %c0_i32, %arg0 : i32, i32
  }
  func.func @transform_3(%arg0: i32) -> (i32, i32) {
    %c0_i32 = arith.constant 0 : i32
    %c0_i32_0 = arith.constant 0 : i32
    %c0_i32_1 = arith.constant 0 : i32
    return %c0_i32, %c0_i32_0 : i32, i32
  }
  func.func @transform_4(%arg0: i32) -> (i32, i32) {
    %c0_i32 = arith.constant 0 : i32
    %c0_i32_0 = arith.constant 0 : i32
    %c0_i32_1 = arith.constant 0 : i32
    return %c0_i32, %c0_i32_0 : i32, i32
  }
  func.func @transform_5(%arg0: i32) -> (i32, i32) {
    %c0_i32 = arith.constant 0 : i32
    %c0_i32_0 = arith.constant 0 : i32
    return %arg0, %c0_i32 : i32, i32
  }
}

</mosaic_0001>

<sc_bundles>
// kernel: kernel.11.cloned.1.call-start
scs
__scs_entry_jumppad:
0x0: {  	(pc) =	sbr.rel $0x88, $3  }
0x1: {  	(tag) =	ssettag $0x0;
	lr =	simm.s32 $0x1  }
0x2: {  	[smem:$0x3F9B] =	sst lr;
	_ =	strace $0xD0000000  }
0x3: {  	_ = 	snop  }
0x4: {  	_ = 	snop  }
0x5: {  	_ = 	snop  }
0x6: {  	_ = 	snop  }
0x7: {  	_ = 	snop  }
__scs_overlays_trampoline_lowered:
0x8: {  	[smem:$0x3FAA] =	sst s0  }
0x9: {  	[smem:$0x3FAB] =	sst s1  }
0xa: {  	[smem:$0x3FAC] =	sst s2  }
0xb: {  	[smem:$0x3FAD] =	sst s3  }
0xc: {  	[smem:$0x3FAE] =	sst s4  }
0xd: {  	[smem:$0x3FAF] =	sst s5  }
0xe: {  	[smem:$0x3FB0] =	sst s6  }
0xf: {  	[smem:$0x3FB1] =	sst s7  }
0x10: {  	[smem:$0x3FB2] =	sst s8  }
0x11: {  	[smem:$0x3FB3] =	sst s9;
	s0 =	simm.s32 @!p0 $0x0  }
0x12: {  	s1 =	sld [smem:$0x3F99];
	s0 =	simm.s32 @p0 $0x1  }
0x13: {  	[smem:$0x3FB4] =	sst s0;
	s0 =	simm.s32 @!p1 $0x0  }
0x14: {  	s2 =	sld [smem:$0x3F98];
	s0 =	simm.s32 @p1 $0x1  }
0x15: {  	[smem:$0x3FB5] =	sst s0;
	s0 =	simm.s32 @!p2 $0x0  }
0x16: {  	s3 =	sld [smem:$0x3FDB];
	s0 =	simm.s32 @p2 $0x1  }
0x17: {  	s4 =	simm.s32 $0x1BF5;
	[smem:$0x3FB7] =	sst s0  }
0x18: {  	s0 =	sld [smem:$0x3F9A];
	_ =	swait.ge [sflag:s4], $0x0  }
0x19: {  	s7 =	sld [smem:$0x3F9B]  }
0x1a: {  	s8 =	sadd.s32 $0xFFFFE003, lr  }
0x1b: {  	s9 =	sadd.s32 $0xFFFFFEF7, lr;
	s5 =	simm.s32 $0xFFFFFFFF;
	p2 =	slt.u32 s8, $0xFFFFF086  }
0x1c: {  	p1 =	slt.u32 s9, $0xF7A;
	s5 =	simm.s32 @!p2 $0x0  }
0x1d: {  	s5 =	simm.s32 @p1 $0x1;
	p0 =	seq.s32 s7, s2  }
0x1e: {  	s7 =	smul.u32 @!p0 $0xF7A, s2;
	p2 =	seq.s32 @!p0 s5, $0x0  }
0x1f: {  	s9 =	smul.u32 $0xF7A, s1;
	s8 =	simm.s32 @!p0 $0x1BF5;
	p2 =	por !p2, p0  }
0x20: {  	[sflag:s8] =	ssyncset.s32 @!p0 $0xFFFFF086;
	s6 =	sadd.s32 @!p0 s3, s7;
	s7 =	simm.s32 @!p0 $0x108  }
0x21: {  	s3 =	sadd.s32 s3, s9;
	s6 =	sadd.s32 @!p0 $0x88, s6;
	s7 =	simm.s32 @p2 $0x1082  }
0x22: {  	[simem:s7], [sflag:s8] =	dma.local @!p0 [hbm:s6], $0xF7A  }
0x23: {  	s9 =	sor.u32 $0xD0000000, s2;
	s6 =	simm.s32 $0x108;
	_ =	swait.ge @!p0 [sflag:s8], $0x0  }
0x24: {  	s3 =	sadd.s32 $0x88, s3;
	s6 =	simm.s32 @!p1 $0x1082;
	[sflag:s4] =	ssyncset.s32 $0xFFFFF086  }
0x25: {  	[simem:s6], [sflag:s4] =	dma.local [hbm:s3], $0xF7A  }
0x26: {  	[smem:$0x3F9B] =	sst s1;
	(tag) =	ssettag s2;
	_ =	strace s9  }
0x27: {  	s1 =	sld [smem:$0x3FAB]  }
0x28: {  	s2 =	sld [smem:$0x3FAC]  }
0x29: {  	s4 =	sld [smem:$0x3FAE]  }
0x2a: {  	p0 =	seq.s32 s5, $0x0;
	s5 =	sld [smem:$0x3FAF]  }
0x2b: {  	s6 =	sld [smem:$0x3FB0]  }
0x2c: {  	s7 =	sld [smem:$0x3FB1]  }
0x2d: {  	s3 =	simm.s32 $0x108;
	s8 =	sld [smem:$0x3FB2]  }
0x2e: {  	s3 =	simm.s32 @!p0 $0x1082;
	s9 =	sld [smem:$0x3FB3]  }
0x2f: {  	lr =	sadd.s32 s0, s3;
	s0 =	sld [smem:$0x3FAA]  }
0x30: {  	s3 =	sld [smem:$0x3FAD]  }
0x31: {  	[smem:$0x3FB6] =	sst s10  }
0x32: {  	s10 =	sld [smem:$0x3FB4];
	_ =	sdelay $0x3  }
0x33: {  	p0 =	seq.s32 s10, $0x1;
	s10 =	sld [smem:$0x3FB6];
	_ =	sdelay $0x3  }
0x34: {  	[smem:$0x3FB6] =	sst s10  }
0x35: {  	s10 =	sld [smem:$0x3FB5];
	_ =	sdelay $0x3  }
0x36: {  	p1 =	seq.s32 s10, $0x1;
	s10 =	sld [smem:$0x3FB6];
	_ =	sdelay $0x3  }
0x37: {  	[smem:$0x3FB6] =	sst s10  }
0x38: {  	s10 =	sld [smem:$0x3FB7]  }
0x39: {  	_ = 	snop;
	(pc) =	sbr.ind lr, $3  }
0x3a: {  	_ = 	snop  }
0x3b: {  	_ = 	snop  }
0x3c: {  	p2 =	seq.s32 s10, $0x1;
	s10 =	sld [smem:$0x3FB6]  }
0x3d: {  	_ =	shalt  }
0x3e: {  	_ =	shalt  }
0x3f: {  	_ =	shalt  }
0x40: {  	_ =	shalt  }
0x41: {  	_ =	shalt  }
0x42: {  	_ =	shalt  }
0x43: {  	_ =	shalt  }
0x44: {  	_ =	shalt  }
0x45: {  	_ =	shalt  }
0x46: {  	_ =	shalt  }
0x47: {  	_ =	shalt  }
0x48: {  	_ =	shalt  }
0x49: {  	_ =	shalt  }
0x4a: {  	_ =	shalt  }
0x4b: {  	_ =	shalt  }
0x4c: {  	_ =	shalt  }
0x4d: {  	_ =	shalt  }
0x4e: {  	_ =	shalt  }
0x4f: {  	_ =	shalt  }
0x50: {  	_ =	shalt  }
0x51: {  	_ =	shalt  }
0x52: {  	_ =	shalt  }
0x53: {  	_ =	shalt  }
0x54: {  	_ =	shalt  }
0x55: {  	_ =	shalt  }
0x56: {  	_ =	shalt  }
0x57: {  	_ =	shalt  }
0x58: {  	_ =	shalt  }
0x59: {  	_ =	shalt  }
0x5a: {  	_ =	shalt  }
0x5b: {  	_ =	shalt  }
0x5c: {  	_ =	shalt  }
0x5d: {  	_ =	shalt  }
0x5e: {  	_ =	shalt  }
0x5f: {  	_ =	shalt  }
0x60: {  	_ =	shalt  }
0x61: {  	_ =	shalt  }
0x62: {  	_ =	shalt  }
0x63: {  	_ =	shalt  }
0x64: {  	_ =	shalt  }
0x65: {  	_ =	shalt  }
0x66: {  	_ =	shalt  }
0x67: {  	_ =	shalt  }
0x68: {  	_ =	shalt  }
0x69: {  	_ =	shalt  }
0x6a: {  	_ =	shalt  }
0x6b: {  	_ =	shalt  }
0x6c: {  	_ =	shalt  }
0x6d: {  	_ =	shalt  }
0x6e: {  	_ =	shalt  }
0x6f: {  	_ =	shalt  }
0x70: {  	_ =	shalt  }
0x71: {  	_ =	shalt  }
0x72: {  	_ =	shalt  }
0x73: {  	_ =	shalt  }
0x74: {  	_ =	shalt  }
0x75: {  	_ =	shalt  }
0x76: {  	_ =	shalt  }
0x77: {  	_ =	shalt  }
0x78: {  	_ =	shalt  }
0x79: {  	_ =	shalt  }
0x7a: {  	_ =	shalt  }
0x7b: {  	_ =	shalt  }
0x7c: {  	_ =	shalt  }
0x7d: {  	_ =	shalt  }
0x7e: {  	_ =	shalt  }
0x7f: {  	_ =	shalt  }
0x80: {  	_ =	shalt  }
0x81: {  	_ =	shalt  }
0x82: {  	_ =	shalt  }
0x83: {  	_ =	shalt  }
0x84: {  	_ =	shalt  }
0x85: {  	_ =	shalt  }
0x86: {  	_ =	shalt  }
0x87: {  	_ =	shalt  }
.Lfunc_end0:
.L_simem_size_0:
called_computation.1_lowered:
.L_overlay_start_0:
0x88: {  	s2 =	sld [smem:$0x3FD9]  }
0x89: {  	s3 =	sld [smem:$0x3FFE];
	_ =	sdelay $0x1  }
0x8a: {  	s1 =	srdreg.scid  }
0x8b: {  	s0 =	sand.u32 $0x1, s1  }
0x8c: {  	s17 =	sshll.u32 s0, $0xA;
	s2 =	sadd.s32 s3, s2  }
0x8d: {  	s2 =	sadd.s32 s2, s17  }
0x8e: {  	[smem:$0x3FC2] =	sst s2  }
0x8f: {  	_ = 	snop  }
0x90: {  	s2 =	sld [smem:$0x3FD0];
	(tm) =	ssettm $0x1  }
0x91: {  	s18 =	sld [smem:$0x3FFB];
	_ =	sdelay $0x3  }
0x92: {  	_ =	strace s18  }
0x93: {  	s3 =	sld [smem:$0x3FFC];
	_ =	sdelay $0x3  }
0x94: {  	_ =	strace s3  }
0x95: {  	s3 =	sld [smem:$0x3FFD];
	_ =	sdelay $0x3  }
0x96: {  	_ =	strace s3  }
0x97: {  	_ =	strace $0x8FFFFFFF  }
0x98: {  	s19 =	sld [smem:$0x3FDB];
	_ =	sdelay $0x1  }
0x99: {  	s4 =	simm.s32 $_scs_section_size  }
0x9a: {  	s5 =	simm.s32 $_size__tile_overlayer_lowered;
	s6 =	simm.s32 $_tile_overlayer_lowered  }
0x9b: {  	s22 =	simm.s32 $0x1BFF;
	s21 =	sshll.u32 s6, $0x1;
	s3 =	sadd.s32 s4, s19  }
0x9c: {  	s7 =	simm.s32 $0x0;
	s20 =	sshll.u32 s5, $0x1;
	s5 =	sadd.s32 s21, s3  }
0x9d: {  	[timem:s7], [sflag:s22] =	dma.local [hbm:s5], s20  }
0x9e: {  	_ =	swait.ge [sflag:s22], s20  }
0x9f: {  	s4 =	ssub.s32 $0x0, s20;
	[sflag:s22] =	ssyncset.done $0x0  }
0xa0: {  	[sflag:s22] =	ssyncadd.s32 s4;
	_ =	sdelay $0x1  }
0xa1: {  	s23 =	simm.s32 $0x1B8B  }
0xa2: {  	_ =	swait.ge [sflag:s23], $0x1  }
0xa3: {  	[sflag:s23] =	ssyncset.done $0x0  }
0xa4: {  	s25 =	simm.s32 $0x1B8E;
	s24 =	sld [smem:$0x3FFE];
	[sflag:s23] =	ssyncadd.s32 $0xFFFFFFFF  }
0xa5: {  	s26 =	simm.s32 $execute0_lowered;
	[smem:$0x3FD2] =	sst s25  }
0xa6: {  	s5 =	sshll.u32 s26, $0x1;
	_ =	strace $0x80000049;
	[dreg:$0x1] =	wrdreg $0xFFFFFFFF  }
0xa7: {  	s28 =	simm.s32 $_size_execute0_lowered;
	s3 =	sadd.s32 s3, s5;
	[dreg:$0x0] =	wrdreg $0x0  }
0xa8: {  	s5 =	sshll.u32 s28, $0x1;
	[dreg:$0x2] =	wrdreg s3  }
0xa9: {  	[dreg:$0x3] =	wrdreg s5  }
0xaa: {  	[dreg:$0x4] =	wrdreg $0xC0  }
0xab: {  	_ =	task [dreg:s7], $0x5FFFF  }
0xac: {  	[dreg:$0x1] =	wrdreg $0xFFFFFFFF  }
0xad: {  	[dreg:$0x0] =	wrdreg $0x60  }
0xae: {  	[dreg:$0x2] =	wrdreg s24  }
0xaf: {  	[dreg:$0x3] =	wrdreg s2  }
0xb0: {  	[dreg:$0x4] =	wrdreg $0x82000  }
0xb1: {  	[dreg:$0x5] =	wrdreg $0x9  }
0xb2: {  	_ =	task.clear_ibuf [dreg:s7], $0x6FFFF;
	_ =	strace $0x90000049  }
0xb3: {  	s29 =	simm.s32 $0x9;
	_ =	strace $0x8000004B  }
0xb4: {  	_ =	swait.ge [sflag:s29], $0x1  }
0xb5: {  	[sflag:s29] =	ssyncadd.s32 $0xFFFFFFFF  }
0xb6: {  	_ =	strace $0x9000004B  }
0xb7: {  	_ =	sfence  }
0xb8: {  	s30 =	sld [smem:$0x0];
	_ =	sdelay $0x2  }
0xb9: {  	s31 =	sshll.u32 s1, $0xD;
	s1 =	sshrl.u32 s1, $0x2  }
0xba: {  	s3 =	sand.u32 $0x4000, s31;
	s1 =	sadd.s32 s1, s30  }
0xbb: {  	s0 =	sor.u32 s3, s0;
	s1 =	sshll.u32 s1, $0x11  }
0xbc: {  	s0 =	sor.u32 s1, s0  }
0xbd: {  	s0 =	sadd.s32 $0x8F2B, s0  }
0xbe: {  	[sflag:s0] =	ssyncadd.remote.s32 $0x1  }
0xbf: {  	_ =	sfence.sel $0xFFFF  }
0xc0: {  	[dreg:$0x0] =	wrdreg $0xFFFFFFFF;
	(pc) =	sbr.abs _section_cstart, $3  }
0xc1: {  	[dreg:$0x1] =	wrdreg $0xFFFFFFFF  }
0xc2: {  	_ =	task.clear_ibuf [dreg:s7], $0x2FFFF;
	_ =	strace $0x9FFFFFFF  }
0xc3: {  	(tm) =	ssettm $0x7FFFFFFF  }
tec
execute0_lowered:
.L_overlay_start_1:
0x0: {  	(tag) =	ssettag $0x1  }
0x1: {  	s0 =	rddreg [dreg:$0x0]  }
0x2: {  	s1 =	rddreg [dreg:$0x1];
	s3 =	srdreg.scid  }
0x3: {  	s2 =	rddreg [dreg:$0x2];
	s9 =	stileid.u32  }
0x4: {  	s20 =	simm.s32 $0x200;
	s21 =	simm.s32 $0x5;
	s22 =	simm.s32 $0x80  }
0x5: {  	s23 =	simm.s32 $0x100;
	s28 =	simm.s32 $0x4200;
	s29 =	simm.s32 $0x3  }
0x6: {  	s30 =	simm.s32 $0x4;
	s31 =	simm.s32 $0x0;
	s6 =	smul.u32 $0x14000, s9  }
0x7: {  	s10 =	sand.u32 $0x1, s3;
	s3 =	simm.s32 $0x0;
	s24 =	smul.u32 $0x50000, s9  }
0x8: {  	s4 =	sadd.s32 $0x17400, s0;
	s18 =	sadd.s32 $0xD400, s0;
	s14 =	smul.u32 $0xA0, s9  }
0x9: {  	s7 =	sshll.u32 s9, $0x1;
	s5 =	smul.u32 $0x140000, s10;
	[smem:$0x7FF] =	sst s3  }
0xa: {  	s25 =	ssub.s32 $0x2, s10;
	s7 =	sor.u32 s10, s7;
	s16 =	smul.u32 $0x50, s10  }
0xb: {  	_ =	strace $0x8000004A;
	s8 =	sshrl.u32 s25, $0x1;
	s12 =	smul.u32 $0x500, s7  }
0xc: {  	s5 =	sadd.s32 s6, s5;
	s6 =	sshrl.u32 s24, $0x2;
	s15 =	ssub.s32 s25, s8  }
0xd: {  	s16 =	sadd.s32 s16, s14;
	s24 =	simm.s32 $0x180;
	s25 =	simm.s32 $0x1  }
0xe: {  	s5 =	sshrl.u32 s5, $0x3;
	s10 =	sadd.s32 s18, s12;
	s11 =	sadd.s32 s1, s12  }
0xf: {  	s13 =	sor.u32 $0x10, s12;
	s15 =	smax.u32 s15, $0x1;
	s26 =	sshll.u32 s16, $0x4  }
0x10: {  	s0 =	sadd.s32 s5, s0;
	s5 =	sadd.s32 s6, s2;
	s12 =	sadd.s32 s18, s13  }
0x11: {  	s13 =	sadd.s32 s1, s13;
	s16 =	sadd.s32 s26, s18;
	s17 =	sadd.s32 s26, s1  }
0x12: {  	s6 =	sadd.s32 $0x4000, s5;
	s7 =	sadd.s32 $0x8000, s5;
	s8 =	sadd.s32 $0xC000, s5  }
0x13: {  	s9 =	sadd.s32 $0x10000, s5;
	s14 =	sadd.s32 $0x3F400, s0;
	s0 =	sor.u32 $0x20, s26  }
0x14: {  	s16 =	sadd.s32 $0x30, s16;
	s17 =	sadd.s32 $0x30, s17;
	s26 =	simm.s32 $0x2  }
0x15: {  	v0 =	vimm.f32 $0.0e+00;
	[dreg:$0x4] =	wrdreg s6;
	s18 =	sadd.s32 s0, s18;
	s19 =	sadd.s32 s0, s1  }
.LBB2_1:
0x16: {  	s0 =	simm.s32 $0x0;
	s1 =	simm.s32 $0x200  }
.LBB2_2:
0x17: {  	p0 =	sne.s32 s1, $0xFE00;
	[tilespmem:s0+$0x270] =	vst v0  }
0x18: {  	[tilespmem:s0+$0x200] =	vst v0  }
0x19: {  	[tilespmem:s0+$0x210] =	vst v0  }
.Ltmp0:
0x1a: {  	[tilespmem:s0+$0x220] =	vst v0;
	(pc) =	sbr.rel @p0 .LBB2_2-.Ltmp0, $4  }
0x1b: {  	[tilespmem:s0+$0x230] =	vst v0  }
0x1c: {  	[tilespmem:s0+$0x240] =	vst v0  }
0x1d: {  	[tilespmem:s0+$0x250] =	vst v0  }
0x1e: {  	[tilespmem:s0+$0x260] =	vst v0;
	s0 =	sshra.s32 s1, $0x2;
	s1 =	sadd.s32 $0x200, s1  }
0x1f: {  	[tilespmem:s0+$0x270] =	vst v0  }
0x20: {  	[tilespmem:s0+$0x200] =	vst v0  }
0x21: {  	[tilespmem:s0+$0x210] =	vst v0  }
0x22: {  	[tilespmem:s0+$0x220] =	vst v0  }
0x23: {  	[tilespmem:s0+$0x230] =	vst v0  }
0x24: {  	[tilespmem:s0+$0x240] =	vst v0  }
0x25: {  	[tilespmem:s0+$0x250] =	vst v0  }
0x26: {  	[tilespmem:s0+$0x260] =	vst v0  }
0x27: {  	[spmem:s5] =	stream.linear.scatter [tilespmem:s20], [sflag:$0x5], $0x4000, $0x38;
	[tilespmem:$0x1C200] =	vst v63  }
0x28: {  	_ =	swait.ge [sflag:s21], $0x4000  }
0x29: {  	[sflag:s21] =	ssyncset.done $0x0  }
0x2a: {  	s1 =	rddreg [dreg:$0x4];
	[sflag:s21] =	ssyncadd.s32 $0xFFFFC000  }
0x2b: {  	[spmem:s1] =	stream.linear.scatter [tilespmem:s20], [sflag:$0x5], $0x4000, $0x38;
	[tilespmem:$0x1C200] =	vst v63  }
0x2c: {  	_ =	swait.ge [sflag:s21], $0x4000  }
0x2d: {  	[sflag:s21] =	ssyncset.done $0x0  }
0x2e: {  	[sflag:s21] =	ssyncadd.s32 $0xFFFFC000  }
0x2f: {  	[spmem:s7] =	stream.linear.scatter [tilespmem:s20], [sflag:$0x5], $0x4000, $0x38;
	[tilespmem:$0x1C200] =	vst v63  }
0x30: {  	_ =	swait.ge [sflag:s21], $0x4000  }
0x31: {  	[sflag:s21] =	ssyncset.done $0x0  }
0x32: {  	[sflag:s21] =	ssyncadd.s32 $0xFFFFC000  }
0x33: {  	[spmem:s8] =	stream.linear.scatter [tilespmem:s20], [sflag:$0x5], $0x4000, $0x38;
	[tilespmem:$0x1C200] =	vst v63  }
0x34: {  	_ =	swait.ge [sflag:s21], $0x4000  }
0x35: {  	[sflag:s21] =	ssyncset.done $0x0  }
0x36: {  	[sflag:s21] =	ssyncadd.s32 $0xFFFFC000  }
0x37: {  	[spmem:s9] =	stream.linear.scatter [tilespmem:s20], [sflag:$0x5], $0x4000, $0x38;
	[tilespmem:$0x1C200] =	vst v63  }
0x38: {  	_ =	swait.ge [sflag:s21], $0x4000  }
0x39: {  	[sflag:s21] =	ssyncset.done $0x0  }
0x3a: {  	[sflag:s21] =	ssyncadd.s32 $0xFFFFC000  }
0x3b: {  	s6 =	simm.s32 $0x0;
	[bflag:$0x0] =	sbarrier.arrive $0xFFFF  }
0x3c: {  	[tilespmem:s6], [sflag:$0x1] =	stream.linear.gather [hbm4b:s10+s6], $0x80, $0x38;
	[tilespmem:$0x1C200] =	vst v63  }
0x3d: {  	_ = 	snop  }
0x3e: {  	[tilespmem:s22], [sflag:$0x1] =	stream.linear.gather [hbm4b:s11+s6], $0x80, $0x38;
	[tilespmem:$0x1C200] =	vst v63  }
0x3f: {  	_ = 	snop  }
0x40: {  	[tilespmem:s23], [sflag:$0x2] =	stream.linear.gather [hbm4b:s12+s6], $0x80, $0x38;
	[tilespmem:$0x1C200] =	vst v63  }
0x41: {  	_ = 	snop  }
0x42: {  	[tilespmem:s24], [sflag:$0x2] =	stream.linear.gather [hbm4b:s13+s6], $0x80, $0x38;
	[tilespmem:$0x1C200] =	vst v63  }
0x43: {  	_ =	swait.ge [sflag:s25], $0x80  }
0x44: {  	[sflag:s25] =	ssyncset.done $0x0  }
0x45: {  	[sflag:s25] =	ssyncadd.s32 $0xFFFFFF80  }
0x46: {  	_ =	swait.ge [sflag:s25], $0x80  }
0x47: {  	[sflag:s25] =	ssyncset.done $0x0  }
0x48: {  	[sflag:s25] =	ssyncadd.s32 $0xFFFFFF80  }
0x49: {  	[tilespmem:s20], [sflag:$0x3] =	stream.indirect.gather [hbm4b:s4+s22], $0x80, s6, s22, $0xb8;
	[tilespmem:$0x1C200] =	vst v63  }
0x4a: {  	_ =	swait.ge [sflag:s26], $0x80  }
0x4b: {  	[sflag:s26] =	ssyncset.done $0x0  }
0x4c: {  	[sflag:s26] =	ssyncadd.s32 $0xFFFFFF80  }
0x4d: {  	_ =	swait.ge [sflag:s26], $0x80  }
0x4e: {  	[sflag:s26] =	ssyncset.done $0x0  }
0x4f: {  	[sflag:s26] =	ssyncadd.s32 $0xFFFFFF80  }
0x50: {  	[tilespmem:s28], [sflag:$0x4] =	stream.indirect.gather [hbm4b:s4+s22], $0x80, s23, s22, $0xb8;
	[tilespmem:$0x1C200] =	vst v63  }
0x51: {  	_ =	swait.ge [sflag:s29], $0x4000  }
0x52: {  	[sflag:s29] =	ssyncset.done $0x0  }
0x53: {  	[sflag:s29] =	ssyncadd.s32 $0xFFFFC000  }
0x54: {  	[spmem:s2] =	stream.indirect.scatter.add.f32 [tilespmem:s20], [sflag:$0x5], $0x80, s22, s22, $0xb8;
	[tilespmem:$0x1C200] =	vst v63  }
0x55: {  	_ =	swait.ge [sflag:s21], $0x4000  }
0x56: {  	[sflag:s21] =	ssyncset.done $0x0  }
0x57: {  	s1 =	sadd.s32 $0x0, s18;
	[sflag:s21] =	ssyncadd.s32 $0xFFFFC000  }
0x58: {  	[tilespmem:s3], [sflag:$0x1] =	stream.linear.gather [hbm4b:s1+s3], $0x80, $0x38;
	[tilespmem:$0x1C200] =	vst v63  }
0x59: {  	s6 =	sadd.s32 $0x0, s19  }
0x5a: {  	[tilespmem:s22], [sflag:$0x1] =	stream.linear.gather [hbm4b:s6+s3], $0x80, $0x38;
	[tilespmem:$0x1C200] =	vst v63  }
0x5b: {  	_ =	swait.ge [sflag:s30], $0x4000  }
0x5c: {  	[sflag:s30] =	ssyncset.done $0x0  }
0x5d: {  	[sflag:s30] =	ssyncadd.s32 $0xFFFFC000  }
0x5e: {  	_ =	swait.ge [sflag:s25], $0x80  }
0x5f: {  	[sflag:s25] =	ssyncset.done $0x0  }
0x60: {  	[sflag:s25] =	ssyncadd.s32 $0xFFFFFF80  }
0x61: {  	_ =	swait.ge [sflag:s25], $0x80  }
0x62: {  	[sflag:s25] =	ssyncset.done $0x0  }
0x63: {  	[sflag:s25] =	ssyncadd.s32 $0xFFFFFF80  }
0x64: {  	[tilespmem:s20], [sflag:$0x3] =	stream.indirect.gather [hbm4b:s4+s22], $0x80, s3, s22, $0xb8;
	[tilespmem:$0x1C200] =	vst v63  }
0x65: {  	_ = 	snop  }
0x66: {  	[spmem:s2] =	stream.indirect.scatter.add.f32 [tilespmem:s28], [sflag:$0x5], $0x80, s24, s22, $0xb8;
	[tilespmem:$0x1C200] =	vst v63  }
0x67: {  	_ =	swait.ge [sflag:s21], $0x4000  }
0x68: {  	[sflag:s21] =	ssyncset.done $0x0  }
0x69: {  	s1 =	sadd.s32 $0x0, s16;
	[sflag:s21] =	ssyncadd.s32 $0xFFFFC000  }
0x6a: {  	[tilespmem:s23], [sflag:$0x2] =	stream.linear.gather [hbm4b:s1+s3], $0x80, $0x38;
	[tilespmem:$0x1C200] =	vst v63  }
0x6b: {  	s6 =	sadd.s32 $0x0, s17  }
0x6c: {  	[tilespmem:s24], [sflag:$0x2] =	stream.linear.gather [hbm4b:s6+s3], $0x80, $0x38;
	[tilespmem:$0x1C200] =	vst v63  }
0x6d: {  	_ =	swait.ge [sflag:s26], $0x80  }
0x6e: {  	[sflag:s26] =	ssyncset.done $0x0  }
0x6f: {  	[sflag:s26] =	ssyncadd.s32 $0xFFFFFF80  }
0x70: {  	_ =	swait.ge [sflag:s26], $0x80  }
0x71: {  	[sflag:s26] =	ssyncset.done $0x0  }
0x72: {  	s0 =	simm.s32 $0x20;
	[sflag:s26] =	ssyncadd.s32 $0xFFFFFF80  }
.LBB2_4:
0x73: {  	[tilespmem:s28], [sflag:$0x4] =	stream.indirect.gather [hbm4b:s4+s22], $0x80, s23, s22, $0xb8;
	[tilespmem:$0x1C200] =	vst v63  }
0x74: {  	s1 =	smov.u32 s0  }
0x75: {  	p0 =	sne.s32 s0, $0x4C0;
	s0 =	sadd.s32 $0x20, s0;
	_ =	swait.ge [sflag:s29], $0x4000  }
0x76: {  	[sflag:s29] =	ssyncset.done $0x0  }
0x77: {  	[sflag:s29] =	ssyncadd.s32 $0xFFFFC000  }
0x78: {  	[spmem:s2] =	stream.indirect.scatter.add.f32 [tilespmem:s20], [sflag:$0x5], $0x80, s22, s22, $0xb8;
	[tilespmem:$0x1C200] =	vst v63  }
0x79: {  	_ =	swait.ge [sflag:s21], $0x4000  }
0x7a: {  	[sflag:s21] =	ssyncset.done $0x0  }
0x7b: {  	s6 =	sadd.s32 s1, s18;
	[sflag:s21] =	ssyncadd.s32 $0xFFFFC000  }
0x7c: {  	[tilespmem:s3], [sflag:$0x1] =	stream.linear.gather [hbm4b:s6+s3], $0x80, $0x38;
	[tilespmem:$0x1C200] =	vst v63  }
0x7d: {  	s6 =	sadd.s32 s1, s19  }
0x7e: {  	[tilespmem:s22], [sflag:$0x1] =	stream.linear.gather [hbm4b:s6+s3], $0x80, $0x38;
	[tilespmem:$0x1C200] =	vst v63  }
0x7f: {  	_ =	swait.ge [sflag:s30], $0x4000  }
0x80: {  	[sflag:s30] =	ssyncset.done $0x0  }
0x81: {  	[sflag:s30] =	ssyncadd.s32 $0xFFFFC000  }
0x82: {  	_ =	swait.ge [sflag:s25], $0x80  }
0x83: {  	[sflag:s25] =	ssyncset.done $0x0  }
0x84: {  	[sflag:s25] =	ssyncadd.s32 $0xFFFFFF80  }
0x85: {  	_ =	swait.ge [sflag:s25], $0x80  }
0x86: {  	[sflag:s25] =	ssyncset.done $0x0  }
0x87: {  	[sflag:s25] =	ssyncadd.s32 $0xFFFFFF80  }
0x88: {  	[tilespmem:s20], [sflag:$0x3] =	stream.indirect.gather [hbm4b:s4+s22], $0x80, s3, s22, $0xb8;
	[tilespmem:$0x1C200] =	vst v63  }
0x89: {  	_ = 	snop  }
0x8a: {  	[spmem:s2] =	stream.indirect.scatter.add.f32 [tilespmem:s28], [sflag:$0x5], $0x80, s24, s22, $0xb8;
	[tilespmem:$0x1C200] =	vst v63  }
0x8b: {  	_ =	swait.ge [sflag:s21], $0x4000  }
0x8c: {  	[sflag:s21] =	ssyncset.done $0x0  }
0x8d: {  	s6 =	sadd.s32 s1, s16;
	[sflag:s21] =	ssyncadd.s32 $0xFFFFC000  }
0x8e: {  	[tilespmem:s23], [sflag:$0x2] =	stream.linear.gather [hbm4b:s6+s3], $0x80, $0x38;
	[tilespmem:$0x1C200] =	vst v63  }
0x8f: {  	s1 =	sadd.s32 s1, s17  }
0x90: {  	[tilespmem:s24], [sflag:$0x2] =	stream.linear.gather [hbm4b:s1+s3], $0x80, $0x38;
	[tilespmem:$0x1C200] =	vst v63  }
0x91: {  	_ =	swait.ge [sflag:s26], $0x80  }
.Ltmp1:
0x92: {  	[sflag:s26] =	ssyncset.done $0x0;
	(pc) =	sbr.rel @p0 .LBB2_4-.Ltmp1, $4  }
0x93: {  	[sflag:s26] =	ssyncadd.s32 $0xFFFFFF80  }
0x94: {  	_ =	swait.ge [sflag:s26], $0x80  }
0x95: {  	[sflag:s26] =	ssyncset.done $0x0  }
0x96: {  	[sflag:s26] =	ssyncadd.s32 $0xFFFFFF80  }
0x97: {  	[tilespmem:s28], [sflag:$0x4] =	stream.indirect.gather [hbm4b:s4+s22], $0x80, s23, s22, $0xb8;
	[tilespmem:$0x1C200] =	vst v63  }
0x98: {  	_ =	swait.ge [sflag:s29], $0x4000  }
0x99: {  	[sflag:s29] =	ssyncset.done $0x0  }
0x9a: {  	[sflag:s29] =	ssyncadd.s32 $0xFFFFC000  }
0x9b: {  	[spmem:s2] =	stream.indirect.scatter.add.f32 [tilespmem:s20], [sflag:$0x5], $0x80, s22, s22, $0xb8;
	[tilespmem:$0x1C200] =	vst v63  }
0x9c: {  	_ =	swait.ge [sflag:s21], $0x4000  }
0x9d: {  	[sflag:s21] =	ssyncset.done $0x0  }
0x9e: {  	[sflag:s21] =	ssyncadd.s32 $0xFFFFC000  }
0x9f: {  	_ =	swait.ge [sflag:s30], $0x4000  }
0xa0: {  	[sflag:s30] =	ssyncset.done $0x0  }
0xa1: {  	[sflag:s30] =	ssyncadd.s32 $0xFFFFC000  }
0xa2: {  	[spmem:s2] =	stream.indirect.scatter.add.f32 [tilespmem:s28], [sflag:$0x5], $0x80, s24, s22, $0xb8;
	[tilespmem:$0x1C200] =	vst v63  }
0xa3: {  	s0 =	stileid.u32;
	_ =	swait.ge [sflag:s21], $0x4000  }
0xa4: {  	s1 =	sshrl.u32 s5, $0x3;
	s31 =	sadd.s32 $0x1, s31;
	[sflag:s21] =	ssyncset.done $0x0  }
0xa5: {  	s0 =	sshll.u32 s0, $0x6;
	p0 =	sne.s32 s31, s15;
	[sflag:s21] =	ssyncadd.s32 $0xFFFFC000  }
.Ltmp2:
0xa6: {  	s0 =	sor.u32 $0x1C05, s0;
	[bflag:$0x0] =	sbarrier.arrive $0xFFFF;
	(pc) =	sbr.rel @p0 .LBB2_1-.Ltmp2, $4  }
0xa7: {  	[hbm:s14], [sflag:s0] =	dma.local [spmem:s1], $0x2800  }
0xa8: {  	_ =	swait.ge [sflag:s21], $0x2800  }
0xa9: {  	[sflag:s21] =	ssyncset.done $0x0  }
0xaa: {  	[sflag:s21] =	ssyncadd.s32 $0xFFFFD800  }
0xab: {  	_ =	sfence.sel $0x180000  }
0xac: {  	[bflag:$0x0] =	sbarrier.arrive $0xFFFF  }
0xad: {  	_ =	strace $0x9000004A  }
0xae: {  	s0 =	stileid.u32;
	[bflag:$0x2] =	sbarrier.arrive $0xFFFF  }
0xaf: {  	p0 =	sne.s32 s0, $0x0;
	s0 =	rddreg [dreg:$0x3]  }
0xb0: {  	s0 =	sadd.s32 @!p0 $0x100000, s0  }
0xb1: {  	[sflag:s0] =	ssyncadd.tile.s32 @!p0 $0x1;
	_ =	shalt  }
.Lfunc_end2:
_tile_overlayer_lowered:
.L_overlay_start_2:
0xb2: {  	(tag) =	ssettag $0x2  }
0xb3: {  	s0 =	rddreg [dreg:$0x0];
	s2 =	stileid.u32  }
0xb4: {  	s1 =	rddreg [dreg:$0x1];
	p0 =	sne.s32 s2, $0x0  }
0xb5: {  	s3 =	rddreg [dreg:$0x2];
	[bflag:$0x3] =	sbarrier.arrive $0xFFFF;
	s2 =	simm.s32 @!p0 $0x1C05  }
0xb6: {  	[timem:s3], [sflag:s2] =	dma.local @!p0 [hbm:s0], s1  }
0xb7: {  	s0 =	simm.s32 @!p0 $0x5  }
0xb8: {  	_ =	swait.ge @!p0 [sflag:s0], s1  }
0xb9: {  	s1 =	ssub.s32 @!p0 $0x0, s1;
	[sflag:s0] =	ssyncset.done @!p0 $0x0  }
0xba: {  	[sflag:s0] =	ssyncadd.s32 @!p0 s1  }
0xbb: {  	[bflag:$0x3] =	sbarrier.arrive $0xFFFF  }
0xbc: {  	_ =	shalt  }

// kernel: kernel.14.cloned.1.call-start
scs
__scs_entry_jumppad:
0x0: {  	(pc) =	sbr.rel $0x88, $3  }
0x1: {  	(tag) =	ssettag $0x0;
	lr =	simm.s32 $0x1  }
0x2: {  	[smem:$0x3F9B] =	sst lr;
	_ =	strace $0xD0000000  }
0x3: {  	_ = 	snop  }
0x4: {  	_ = 	snop  }
0x5: {  	_ = 	snop  }
0x6: {  	_ = 	snop  }
0x7: {  	_ = 	snop  }
__scs_overlays_trampoline_lowered:
0x8: {  	[smem:$0x3FAA] =	sst s0  }
0x9: {  	[smem:$0x3FAB] =	sst s1  }
0xa: {  	[smem:$0x3FAC] =	sst s2  }
0xb: {  	[smem:$0x3FAD] =	sst s3  }
0xc: {  	[smem:$0x3FAE] =	sst s4  }
0xd: {  	[smem:$0x3FAF] =	sst s5  }
0xe: {  	[smem:$0x3FB0] =	sst s6  }
0xf: {  	[smem:$0x3FB1] =	sst s7  }
0x10: {  	[smem:$0x3FB2] =	sst s8  }
0x11: {  	[smem:$0x3FB3] =	sst s9;
	s0 =	simm.s32 @!p0 $0x0  }
0x12: {  	s1 =	sld [smem:$0x3F99];
	s0 =	simm.s32 @p0 $0x1  }
0x13: {  	[smem:$0x3FB4] =	sst s0;
	s0 =	simm.s32 @!p1 $0x0  }
0x14: {  	s2 =	sld [smem:$0x3F98];
	s0 =	simm.s32 @p1 $0x1  }
0x15: {  	[smem:$0x3FB5] =	sst s0;
	s0 =	simm.s32 @!p2 $0x0  }
0x16: {  	s3 =	sld [smem:$0x3FDB];
	s0 =	simm.s32 @p2 $0x1  }
0x17: {  	s4 =	simm.s32 $0x1BF5;
	[smem:$0x3FB7] =	sst s0  }
0x18: {  	s0 =	sld [smem:$0x3F9A];
	_ =	swait.ge [sflag:s4], $0x0  }
0x19: {  	s7 =	sld [smem:$0x3F9B]  }
0x1a: {  	s8 =	sadd.s32 $0xFFFFE003, lr  }
0x1b: {  	s9 =	sadd.s32 $0xFFFFFEF7, lr;
	s5 =	simm.s32 $0xFFFFFFFF;
	p2 =	slt.u32 s8, $0xFFFFF086  }
0x1c: {  	p1 =	slt.u32 s9, $0xF7A;
	s5 =	simm.s32 @!p2 $0x0  }
0x1d: {  	s5 =	simm.s32 @p1 $0x1;
	p0 =	seq.s32 s7, s2  }
0x1e: {  	s7 =	smul.u32 @!p0 $0xF7A, s2;
	p2 =	seq.s32 @!p0 s5, $0x0  }
0x1f: {  	s9 =	smul.u32 $0xF7A, s1;
	s8 =	simm.s32 @!p0 $0x1BF5;
	p2 =	por !p2, p0  }
0x20: {  	[sflag:s8] =	ssyncset.s32 @!p0 $0xFFFFF086;
	s6 =	sadd.s32 @!p0 s3, s7;
	s7 =	simm.s32 @!p0 $0x108  }
0x21: {  	s3 =	sadd.s32 s3, s9;
	s6 =	sadd.s32 @!p0 $0x88, s6;
	s7 =	simm.s32 @p2 $0x1082  }
0x22: {  	[simem:s7], [sflag:s8] =	dma.local @!p0 [hbm:s6], $0xF7A  }
0x23: {  	s9 =	sor.u32 $0xD0000000, s2;
	s6 =	simm.s32 $0x108;
	_ =	swait.ge @!p0 [sflag:s8], $0x0  }
0x24: {  	s3 =	sadd.s32 $0x88, s3;
	s6 =	simm.s32 @!p1 $0x1082;
	[sflag:s4] =	ssyncset.s32 $0xFFFFF086  }
0x25: {  	[simem:s6], [sflag:s4] =	dma.local [hbm:s3], $0xF7A  }
0x26: {  	[smem:$0x3F9B] =	sst s1;
	(tag) =	ssettag s2;
	_ =	strace s9  }
0x27: {  	s1 =	sld [smem:$0x3FAB]  }
0x28: {  	s2 =	sld [smem:$0x3FAC]  }
0x29: {  	s4 =	sld [smem:$0x3FAE]  }
0x2a: {  	p0 =	seq.s32 s5, $0x0;
	s5 =	sld [smem:$0x3FAF]  }
0x2b: {  	s6 =	sld [smem:$0x3FB0]  }
0x2c: {  	s7 =	sld [smem:$0x3FB1]  }
0x2d: {  	s3 =	simm.s32 $0x108;
	s8 =	sld [smem:$0x3FB2]  }
0x2e: {  	s3 =	simm.s32 @!p0 $0x1082;
	s9 =	sld [smem:$0x3FB3]  }
0x2f: {  	lr =	sadd.s32 s0, s3;
	s0 =	sld [smem:$0x3FAA]  }
0x30: {  	s3 =	sld [smem:$0x3FAD]  }
0x31: {  	[smem:$0x3FB6] =	sst s10  }
0x32: {  	s10 =	sld [smem:$0x3FB4];
	_ =	sdelay $0x3  }
0x33: {  	p0 =	seq.s32 s10, $0x1;
	s10 =	sld [smem:$0x3FB6];
	_ =	sdelay $0x3  }
0x34: {  	[smem:$0x3FB6] =	sst s10  }
0x35: {  	s10 =	sld [smem:$0x3FB5];
	_ =	sdelay $0x3  }
0x36: {  	p1 =	seq.s32 s10, $0x1;
	s10 =	sld [smem:$0x3FB6];
	_ =	sdelay $0x3  }
0x37: {  	[smem:$0x3FB6] =	sst s10  }
0x38: {  	s10 =	sld [smem:$0x3FB7]  }
0x39: {  	_ = 	snop;
	(pc) =	sbr.ind lr, $3  }
0x3a: {  	_ = 	snop  }
0x3b: {  	_ = 	snop  }
0x3c: {  	p2 =	seq.s32 s10, $0x1;
	s10 =	sld [smem:$0x3FB6]  }
0x3d: {  	_ =	shalt  }
0x3e: {  	_ =	shalt  }
0x3f: {  	_ =	shalt  }
0x40: {  	_ =	shalt  }
0x41: {  	_ =	shalt  }
0x42: {  	_ =	shalt  }
0x43: {  	_ =	shalt  }
0x44: {  	_ =	shalt  }
0x45: {  	_ =	shalt  }
0x46: {  	_ =	shalt  }
0x47: {  	_ =	shalt  }
0x48: {  	_ =	shalt  }
0x49: {  	_ =	shalt  }
0x4a: {  	_ =	shalt  }
0x4b: {  	_ =	shalt  }
0x4c: {  	_ =	shalt  }
0x4d: {  	_ =	shalt  }
0x4e: {  	_ =	shalt  }
0x4f: {  	_ =	shalt  }
0x50: {  	_ =	shalt  }
0x51: {  	_ =	shalt  }
0x52: {  	_ =	shalt  }
0x53: {  	_ =	shalt  }
0x54: {  	_ =	shalt  }
0x55: {  	_ =	shalt  }
0x56: {  	_ =	shalt  }
0x57: {  	_ =	shalt  }
0x58: {  	_ =	shalt  }
0x59: {  	_ =	shalt  }
0x5a: {  	_ =	shalt  }
0x5b: {  	_ =	shalt  }
0x5c: {  	_ =	shalt  }
0x5d: {  	_ =	shalt  }
0x5e: {  	_ =	shalt  }
0x5f: {  	_ =	shalt  }
0x60: {  	_ =	shalt  }
0x61: {  	_ =	shalt  }
0x62: {  	_ =	shalt  }
0x63: {  	_ =	shalt  }
0x64: {  	_ =	shalt  }
0x65: {  	_ =	shalt  }
0x66: {  	_ =	shalt  }
0x67: {  	_ =	shalt  }
0x68: {  	_ =	shalt  }
0x69: {  	_ =	shalt  }
0x6a: {  	_ =	shalt  }
0x6b: {  	_ =	shalt  }
0x6c: {  	_ =	shalt  }
0x6d: {  	_ =	shalt  }
0x6e: {  	_ =	shalt  }
0x6f: {  	_ =	shalt  }
0x70: {  	_ =	shalt  }
0x71: {  	_ =	shalt  }
0x72: {  	_ =	shalt  }
0x73: {  	_ =	shalt  }
0x74: {  	_ =	shalt  }
0x75: {  	_ =	shalt  }
0x76: {  	_ =	shalt  }
0x77: {  	_ =	shalt  }
0x78: {  	_ =	shalt  }
0x79: {  	_ =	shalt  }
0x7a: {  	_ =	shalt  }
0x7b: {  	_ =	shalt  }
0x7c: {  	_ =	shalt  }
0x7d: {  	_ =	shalt  }
0x7e: {  	_ =	shalt  }
0x7f: {  	_ =	shalt  }
0x80: {  	_ =	shalt  }
0x81: {  	_ =	shalt  }
0x82: {  	_ =	shalt  }
0x83: {  	_ =	shalt  }
0x84: {  	_ =	shalt  }
0x85: {  	_ =	shalt  }
0x86: {  	_ =	shalt  }
0x87: {  	_ =	shalt  }
.Lfunc_end0:
.L_simem_size_0:
called_computation.2_lowered:
.L_overlay_start_0:
0x88: {  	s2 =	sld [smem:$0x3FD9]  }
0x89: {  	s3 =	sld [smem:$0x3FFE];
	_ =	sdelay $0x1  }
0x8a: {  	s1 =	srdreg.scid  }
0x8b: {  	s0 =	sand.u32 $0x1, s1  }
0x8c: {  	s17 =	sshll.u32 s0, $0xA;
	s2 =	sadd.s32 s3, s2  }
0x8d: {  	s2 =	sadd.s32 s2, s17  }
0x8e: {  	[smem:$0x3FC2] =	sst s2  }
0x8f: {  	_ = 	snop  }
0x90: {  	s2 =	sld [smem:$0x3FD0];
	(tm) =	ssettm $0x1  }
0x91: {  	s18 =	sld [smem:$0x3FFB];
	_ =	sdelay $0x3  }
0x92: {  	_ =	strace s18  }
0x93: {  	s3 =	sld [smem:$0x3FFC];
	_ =	sdelay $0x3  }
0x94: {  	_ =	strace s3  }
0x95: {  	s3 =	sld [smem:$0x3FFD];
	_ =	sdelay $0x3  }
0x96: {  	_ =	strace s3  }
0x97: {  	_ =	strace $0x8FFFFFFF  }
0x98: {  	s19 =	sld [smem:$0x3FDB];
	_ =	sdelay $0x1  }
0x99: {  	s4 =	simm.s32 $_scs_section_size  }
0x9a: {  	s5 =	simm.s32 $_size__tile_overlayer_lowered;
	s6 =	simm.s32 $_tile_overlayer_lowered  }
0x9b: {  	s22 =	simm.s32 $0x1BFF;
	s21 =	sshll.u32 s6, $0x1;
	s3 =	sadd.s32 s4, s19  }
0x9c: {  	s7 =	simm.s32 $0x0;
	s20 =	sshll.u32 s5, $0x1;
	s5 =	sadd.s32 s21, s3  }
0x9d: {  	[timem:s7], [sflag:s22] =	dma.local [hbm:s5], s20  }
0x9e: {  	_ =	swait.ge [sflag:s22], s20  }
0x9f: {  	s4 =	ssub.s32 $0x0, s20;
	[sflag:s22] =	ssyncset.done $0x0  }
0xa0: {  	[sflag:s22] =	ssyncadd.s32 s4;
	_ =	sdelay $0x1  }
0xa1: {  	s23 =	simm.s32 $0x1B8B  }
0xa2: {  	_ =	swait.ge [sflag:s23], $0x1  }
0xa3: {  	[sflag:s23] =	ssyncset.done $0x0  }
0xa4: {  	s25 =	simm.s32 $0x1B8E;
	s24 =	sld [smem:$0x3FFE];
	[sflag:s23] =	ssyncadd.s32 $0xFFFFFFFF  }
0xa5: {  	s26 =	simm.s32 $execute0_lowered;
	[smem:$0x3FD2] =	sst s25  }
0xa6: {  	s5 =	sshll.u32 s26, $0x1;
	_ =	strace $0x8000004C;
	[dreg:$0x1] =	wrdreg $0xFFFFFFFF  }
0xa7: {  	s28 =	simm.s32 $_size_execute0_lowered;
	s3 =	sadd.s32 s3, s5;
	[dreg:$0x0] =	wrdreg $0x0  }
0xa8: {  	s5 =	sshll.u32 s28, $0x1;
	[dreg:$0x2] =	wrdreg s3  }
0xa9: {  	[dreg:$0x3] =	wrdreg s5  }
0xaa: {  	[dreg:$0x4] =	wrdreg $0xC0  }
0xab: {  	_ =	task [dreg:s7], $0x5FFFF  }
0xac: {  	[dreg:$0x1] =	wrdreg $0xFFFFFFFF  }
0xad: {  	[dreg:$0x0] =	wrdreg $0x60  }
0xae: {  	[dreg:$0x2] =	wrdreg s24  }
0xaf: {  	[dreg:$0x3] =	wrdreg s2  }
0xb0: {  	[dreg:$0x4] =	wrdreg $0x82000  }
0xb1: {  	[dreg:$0x5] =	wrdreg $0x9  }
0xb2: {  	_ =	task.clear_ibuf [dreg:s7], $0x6FFFF;
	_ =	strace $0x9000004C  }
0xb3: {  	s29 =	simm.s32 $0x9;
	_ =	strace $0x8000004E  }
0xb4: {  	_ =	swait.ge [sflag:s29], $0x1  }
0xb5: {  	[sflag:s29] =	ssyncadd.s32 $0xFFFFFFFF  }
0xb6: {  	_ =	strace $0x9000004E  }
0xb7: {  	_ =	sfence  }
0xb8: {  	s30 =	sld [smem:$0x0];
	_ =	sdelay $0x2  }
0xb9: {  	s31 =	sshll.u32 s1, $0xD;
	s1 =	sshrl.u32 s1, $0x2  }
0xba: {  	s3 =	sand.u32 $0x4000, s31;
	s1 =	sadd.s32 s1, s30  }
0xbb: {  	s0 =	sor.u32 s3, s0;
	s1 =	sshll.u32 s1, $0x11  }
0xbc: {  	s0 =	sor.u32 s1, s0  }
0xbd: {  	s0 =	sadd.s32 $0x8F2B, s0  }
0xbe: {  	[sflag:s0] =	ssyncadd.remote.s32 $0x1  }
0xbf: {  	_ =	sfence.sel $0xFFFF  }
0xc0: {  	[dreg:$0x0] =	wrdreg $0xFFFFFFFF;
	(pc) =	sbr.abs _section_cstart, $3  }
0xc1: {  	[dreg:$0x1] =	wrdreg $0xFFFFFFFF  }
0xc2: {  	_ =	task.clear_ibuf [dreg:s7], $0x2FFFF;
	_ =	strace $0x9FFFFFFF  }
0xc3: {  	(tm) =	ssettm $0x7FFFFFFF  }
tec
execute0_lowered:
.L_overlay_start_1:
0x0: {  	(tag) =	ssettag $0x1  }
0x1: {  	s0 =	rddreg [dreg:$0x0]  }
0x2: {  	s1 =	rddreg [dreg:$0x1];
	s3 =	srdreg.scid  }
0x3: {  	s2 =	rddreg [dreg:$0x2];
	s9 =	stileid.u32  }
0x4: {  	s20 =	simm.s32 $0x200;
	s21 =	simm.s32 $0x5;
	s22 =	simm.s32 $0x80  }
0x5: {  	s23 =	simm.s32 $0x100;
	s28 =	simm.s32 $0x4200;
	s29 =	simm.s32 $0x3  }
0x6: {  	s30 =	simm.s32 $0x4;
	s31 =	simm.s32 $0x0;
	s6 =	smul.u32 $0x14000, s9  }
0x7: {  	s10 =	sand.u32 $0x1, s3;
	s3 =	simm.s32 $0x0;
	s24 =	smul.u32 $0x50000, s9  }
0x8: {  	s4 =	sadd.s32 $0x17400, s0;
	s18 =	sadd.s32 $0xD400, s0;
	s14 =	smul.u32 $0xA0, s9  }
0x9: {  	s7 =	sshll.u32 s9, $0x1;
	s5 =	smul.u32 $0x140000, s10;
	[smem:$0x7FF] =	sst s3  }
0xa: {  	s25 =	ssub.s32 $0x2, s10;
	s7 =	sor.u32 s10, s7;
	s16 =	smul.u32 $0x50, s10  }
0xb: {  	_ =	strace $0x8000004D;
	s8 =	sshrl.u32 s25, $0x1;
	s12 =	smul.u32 $0x500, s7  }
0xc: {  	s5 =	sadd.s32 s6, s5;
	s6 =	sshrl.u32 s24, $0x2;
	s15 =	ssub.s32 s25, s8  }
0xd: {  	s16 =	sadd.s32 s16, s14;
	s24 =	simm.s32 $0x180;
	s25 =	simm.s32 $0x1  }
0xe: {  	s5 =	sshrl.u32 s5, $0x3;
	s10 =	sadd.s32 s18, s12;
	s11 =	sadd.s32 s1, s12  }
0xf: {  	s13 =	sor.u32 $0x10, s12;
	s15 =	smax.u32 s15, $0x1;
	s26 =	sshll.u32 s16, $0x4  }
0x10: {  	s0 =	sadd.s32 s5, s0;
	s5 =	sadd.s32 s6, s2;
	s12 =	sadd.s32 s18, s13  }
0x11: {  	s13 =	sadd.s32 s1, s13;
	s16 =	sadd.s32 s26, s18;
	s17 =	sadd.s32 s26, s1  }
0x12: {  	s6 =	sadd.s32 $0x4000, s5;
	s7 =	sadd.s32 $0x8000, s5;
	s8 =	sadd.s32 $0xC000, s5  }
0x13: {  	s9 =	sadd.s32 $0x10000, s5;
	s14 =	sadd.s32 $0x3F400, s0;
	s0 =	sor.u32 $0x20, s26  }
0x14: {  	s16 =	sadd.s32 $0x30, s16;
	s17 =	sadd.s32 $0x30, s17;
	s26 =	simm.s32 $0x2  }
0x15: {  	v0 =	vimm.f32 $0.0e+00;
	[dreg:$0x4] =	wrdreg s6;
	s18 =	sadd.s32 s0, s18;
	s19 =	sadd.s32 s0, s1  }
.LBB2_1:
0x16: {  	s0 =	simm.s32 $0x0;
	s1 =	simm.s32 $0x200  }
.LBB2_2:
0x17: {  	p0 =	sne.s32 s1, $0xFE00;
	[tilespmem:s0+$0x270] =	vst v0  }
0x18: {  	[tilespmem:s0+$0x200] =	vst v0  }
0x19: {  	[tilespmem:s0+$0x210] =	vst v0  }
.Ltmp0:
0x1a: {  	[tilespmem:s0+$0x220] =	vst v0;
	(pc) =	sbr.rel @p0 .LBB2_2-.Ltmp0, $4  }
0x1b: {  	[tilespmem:s0+$0x230] =	vst v0  }
0x1c: {  	[tilespmem:s0+$0x240] =	vst v0  }
0x1d: {  	[tilespmem:s0+$0x250] =	vst v0  }
0x1e: {  	[tilespmem:s0+$0x260] =	vst v0;
	s0 =	sshra.s32 s1, $0x2;
	s1 =	sadd.s32 $0x200, s1  }
0x1f: {  	[tilespmem:s0+$0x270] =	vst v0  }
0x20: {  	[tilespmem:s0+$0x200] =	vst v0  }
0x21: {  	[tilespmem:s0+$0x210] =	vst v0  }
0x22: {  	[tilespmem:s0+$0x220] =	vst v0  }
0x23: {  	[tilespmem:s0+$0x230] =	vst v0  }
0x24: {  	[tilespmem:s0+$0x240] =	vst v0  }
0x25: {  	[tilespmem:s0+$0x250] =	vst v0  }
0x26: {  	[tilespmem:s0+$0x260] =	vst v0  }
0x27: {  	[spmem:s5] =	stream.linear.scatter [tilespmem:s20], [sflag:$0x5], $0x4000, $0x38;
	[tilespmem:$0x1C200] =	vst v63  }
0x28: {  	_ =	swait.ge [sflag:s21], $0x4000  }
0x29: {  	[sflag:s21] =	ssyncset.done $0x0  }
0x2a: {  	s1 =	rddreg [dreg:$0x4];
	[sflag:s21] =	ssyncadd.s32 $0xFFFFC000  }
0x2b: {  	[spmem:s1] =	stream.linear.scatter [tilespmem:s20], [sflag:$0x5], $0x4000, $0x38;
	[tilespmem:$0x1C200] =	vst v63  }
0x2c: {  	_ =	swait.ge [sflag:s21], $0x4000  }
0x2d: {  	[sflag:s21] =	ssyncset.done $0x0  }
0x2e: {  	[sflag:s21] =	ssyncadd.s32 $0xFFFFC000  }
0x2f: {  	[spmem:s7] =	stream.linear.scatter [tilespmem:s20], [sflag:$0x5], $0x4000, $0x38;
	[tilespmem:$0x1C200] =	vst v63  }
0x30: {  	_ =	swait.ge [sflag:s21], $0x4000  }
0x31: {  	[sflag:s21] =	ssyncset.done $0x0  }
0x32: {  	[sflag:s21] =	ssyncadd.s32 $0xFFFFC000  }
0x33: {  	[spmem:s8] =	stream.linear.scatter [tilespmem:s20], [sflag:$0x5], $0x4000, $0x38;
	[tilespmem:$0x1C200] =	vst v63  }
0x34: {  	_ =	swait.ge [sflag:s21], $0x4000  }
0x35: {  	[sflag:s21] =	ssyncset.done $0x0  }
0x36: {  	[sflag:s21] =	ssyncadd.s32 $0xFFFFC000  }
0x37: {  	[spmem:s9] =	stream.linear.scatter [tilespmem:s20], [sflag:$0x5], $0x4000, $0x38;
	[tilespmem:$0x1C200] =	vst v63  }
0x38: {  	_ =	swait.ge [sflag:s21], $0x4000  }
0x39: {  	[sflag:s21] =	ssyncset.done $0x0  }
0x3a: {  	[sflag:s21] =	ssyncadd.s32 $0xFFFFC000  }
0x3b: {  	s6 =	simm.s32 $0x0;
	[bflag:$0x0] =	sbarrier.arrive $0xFFFF  }
0x3c: {  	[tilespmem:s6], [sflag:$0x1] =	stream.linear.gather [hbm4b:s10+s6], $0x80, $0x38;
	[tilespmem:$0x1C200] =	vst v63  }
0x3d: {  	_ = 	snop  }
0x3e: {  	[tilespmem:s22], [sflag:$0x1] =	stream.linear.gather [hbm4b:s11+s6], $0x80, $0x38;
	[tilespmem:$0x1C200] =	vst v63  }
0x3f: {  	_ = 	snop  }
0x40: {  	[tilespmem:s23], [sflag:$0x2] =	stream.linear.gather [hbm4b:s12+s6], $0x80, $0x38;
	[tilespmem:$0x1C200] =	vst v63  }
0x41: {  	_ = 	snop  }
0x42: {  	[tilespmem:s24], [sflag:$0x2] =	stream.linear.gather [hbm4b:s13+s6], $0x80, $0x38;
	[tilespmem:$0x1C200] =	vst v63  }
0x43: {  	_ =	swait.ge [sflag:s25], $0x80  }
0x44: {  	[sflag:s25] =	ssyncset.done $0x0  }
0x45: {  	[sflag:s25] =	ssyncadd.s32 $0xFFFFFF80  }
0x46: {  	_ =	swait.ge [sflag:s25], $0x80  }
0x47: {  	[sflag:s25] =	ssyncset.done $0x0  }
0x48: {  	[sflag:s25] =	ssyncadd.s32 $0xFFFFFF80  }
0x49: {  	[tilespmem:s20], [sflag:$0x3] =	stream.indirect.gather [hbm4b:s4+s22], $0x80, s6, s22, $0xb8;
	[tilespmem:$0x1C200] =	vst v63  }
0x4a: {  	_ =	swait.ge [sflag:s26], $0x80  }
0x4b: {  	[sflag:s26] =	ssyncset.done $0x0  }
0x4c: {  	[sflag:s26] =	ssyncadd.s32 $0xFFFFFF80  }
0x4d: {  	_ =	swait.ge [sflag:s26], $0x80  }
0x4e: {  	[sflag:s26] =	ssyncset.done $0x0  }
0x4f: {  	[sflag:s26] =	ssyncadd.s32 $0xFFFFFF80  }
0x50: {  	[tilespmem:s28], [sflag:$0x4] =	stream.indirect.gather [hbm4b:s4+s22], $0x80, s23, s22, $0xb8;
	[tilespmem:$0x1C200] =	vst v63  }
0x51: {  	_ =	swait.ge [sflag:s29], $0x4000  }
0x52: {  	[sflag:s29] =	ssyncset.done $0x0  }
0x53: {  	[sflag:s29] =	ssyncadd.s32 $0xFFFFC000  }
0x54: {  	[spmem:s2] =	stream.indirect.scatter.add.f32 [tilespmem:s20], [sflag:$0x5], $0x80, s22, s22, $0xb8;
	[tilespmem:$0x1C200] =	vst v63  }
0x55: {  	_ =	swait.ge [sflag:s21], $0x4000  }
0x56: {  	[sflag:s21] =	ssyncset.done $0x0  }
0x57: {  	s1 =	sadd.s32 $0x0, s18;
	[sflag:s21] =	ssyncadd.s32 $0xFFFFC000  }
0x58: {  	[tilespmem:s3], [sflag:$0x1] =	stream.linear.gather [hbm4b:s1+s3], $0x80, $0x38;
	[tilespmem:$0x1C200] =	vst v63  }
0x59: {  	s6 =	sadd.s32 $0x0, s19  }
0x5a: {  	[tilespmem:s22], [sflag:$0x1] =	stream.linear.gather [hbm4b:s6+s3], $0x80, $0x38;
	[tilespmem:$0x1C200] =	vst v63  }
0x5b: {  	_ =	swait.ge [sflag:s30], $0x4000  }
0x5c: {  	[sflag:s30] =	ssyncset.done $0x0  }
0x5d: {  	[sflag:s30] =	ssyncadd.s32 $0xFFFFC000  }
0x5e: {  	_ =	swait.ge [sflag:s25], $0x80  }
0x5f: {  	[sflag:s25] =	ssyncset.done $0x0  }
0x60: {  	[sflag:s25] =	ssyncadd.s32 $0xFFFFFF80  }
0x61: {  	_ =	swait.ge [sflag:s25], $0x80  }
0x62: {  	[sflag:s25] =	ssyncset.done $0x0  }
0x63: {  	[sflag:s25] =	ssyncadd.s32 $0xFFFFFF80  }
0x64: {  	[tilespmem:s20], [sflag:$0x3] =	stream.indirect.gather [hbm4b:s4+s22], $0x80, s3, s22, $0xb8;
	[tilespmem:$0x1C200] =	vst v63  }
0x65: {  	_ = 	snop  }
0x66: {  	[spmem:s2] =	stream.indirect.scatter.add.f32 [tilespmem:s28], [sflag:$0x5], $0x80, s24, s22, $0xb8;
	[tilespmem:$0x1C200] =	vst v63  }
0x67: {  	_ =	swait.ge [sflag:s21], $0x4000  }
0x68: {  	[sflag:s21] =	ssyncset.done $0x0  }
0x69: {  	s1 =	sadd.s32 $0x0, s16;
	[sflag:s21] =	ssyncadd.s32 $0xFFFFC000  }
0x6a: {  	[tilespmem:s23], [sflag:$0x2] =	stream.linear.gather [hbm4b:s1+s3], $0x80, $0x38;
	[tilespmem:$0x1C200] =	vst v63  }
0x6b: {  	s6 =	sadd.s32 $0x0, s17  }
0x6c: {  	[tilespmem:s24], [sflag:$0x2] =	stream.linear.gather [hbm4b:s6+s3], $0x80, $0x38;
	[tilespmem:$0x1C200] =	vst v63  }
0x6d: {  	_ =	swait.ge [sflag:s26], $0x80  }
0x6e: {  	[sflag:s26] =	ssyncset.done $0x0  }
0x6f: {  	[sflag:s26] =	ssyncadd.s32 $0xFFFFFF80  }
0x70: {  	_ =	swait.ge [sflag:s26], $0x80  }
0x71: {  	[sflag:s26] =	ssyncset.done $0x0  }
0x72: {  	s0 =	simm.s32 $0x20;
	[sflag:s26] =	ssyncadd.s32 $0xFFFFFF80  }
.LBB2_4:
0x73: {  	[tilespmem:s28], [sflag:$0x4] =	stream.indirect.gather [hbm4b:s4+s22], $0x80, s23, s22, $0xb8;
	[tilespmem:$0x1C200] =	vst v63  }
0x74: {  	s1 =	smov.u32 s0  }
0x75: {  	p0 =	sne.s32 s0, $0x4C0;
	s0 =	sadd.s32 $0x20, s0;
	_ =	swait.ge [sflag:s29], $0x4000  }
0x76: {  	[sflag:s29] =	ssyncset.done $0x0  }
0x77: {  	[sflag:s29] =	ssyncadd.s32 $0xFFFFC000  }
0x78: {  	[spmem:s2] =	stream.indirect.scatter.add.f32 [tilespmem:s20], [sflag:$0x5], $0x80, s22, s22, $0xb8;
	[tilespmem:$0x1C200] =	vst v63  }
0x79: {  	_ =	swait.ge [sflag:s21], $0x4000  }
0x7a: {  	[sflag:s21] =	ssyncset.done $0x0  }
0x7b: {  	s6 =	sadd.s32 s1, s18;
	[sflag:s21] =	ssyncadd.s32 $0xFFFFC000  }
0x7c: {  	[tilespmem:s3], [sflag:$0x1] =	stream.linear.gather [hbm4b:s6+s3], $0x80, $0x38;
	[tilespmem:$0x1C200] =	vst v63  }
0x7d: {  	s6 =	sadd.s32 s1, s19  }
0x7e: {  	[tilespmem:s22], [sflag:$0x1] =	stream.linear.gather [hbm4b:s6+s3], $0x80, $0x38;
	[tilespmem:$0x1C200] =	vst v63  }
0x7f: {  	_ =	swait.ge [sflag:s30], $0x4000  }
0x80: {  	[sflag:s30] =	ssyncset.done $0x0  }
0x81: {  	[sflag:s30] =	ssyncadd.s32 $0xFFFFC000  }
0x82: {  	_ =	swait.ge [sflag:s25], $0x80  }
0x83: {  	[sflag:s25] =	ssyncset.done $0x0  }
0x84: {  	[sflag:s25] =	ssyncadd.s32 $0xFFFFFF80  }
0x85: {  	_ =	swait.ge [sflag:s25], $0x80  }
0x86: {  	[sflag:s25] =	ssyncset.done $0x0  }
0x87: {  	[sflag:s25] =	ssyncadd.s32 $0xFFFFFF80  }
0x88: {  	[tilespmem:s20], [sflag:$0x3] =	stream.indirect.gather [hbm4b:s4+s22], $0x80, s3, s22, $0xb8;
	[tilespmem:$0x1C200] =	vst v63  }
0x89: {  	_ = 	snop  }
0x8a: {  	[spmem:s2] =	stream.indirect.scatter.add.f32 [tilespmem:s28], [sflag:$0x5], $0x80, s24, s22, $0xb8;
	[tilespmem:$0x1C200] =	vst v63  }
0x8b: {  	_ =	swait.ge [sflag:s21], $0x4000  }
0x8c: {  	[sflag:s21] =	ssyncset.done $0x0  }
0x8d: {  	s6 =	sadd.s32 s1, s16;
	[sflag:s21] =	ssyncadd.s32 $0xFFFFC000  }
0x8e: {  	[tilespmem:s23], [sflag:$0x2] =	stream.linear.gather [hbm4b:s6+s3], $0x80, $0x38;
	[tilespmem:$0x1C200] =	vst v63  }
0x8f: {  	s1 =	sadd.s32 s1, s17  }
0x90: {  	[tilespmem:s24], [sflag:$0x2] =	stream.linear.gather [hbm4b:s1+s3], $0x80, $0x38;
	[tilespmem:$0x1C200] =	vst v63  }
0x91: {  	_ =	swait.ge [sflag:s26], $0x80  }
.Ltmp1:
0x92: {  	[sflag:s26] =	ssyncset.done $0x0;
	(pc) =	sbr.rel @p0 .LBB2_4-.Ltmp1, $4  }
0x93: {  	[sflag:s26] =	ssyncadd.s32 $0xFFFFFF80  }
0x94: {  	_ =	swait.ge [sflag:s26], $0x80  }
0x95: {  	[sflag:s26] =	ssyncset.done $0x0  }
0x96: {  	[sflag:s26] =	ssyncadd.s32 $0xFFFFFF80  }
0x97: {  	[tilespmem:s28], [sflag:$0x4] =	stream.indirect.gather [hbm4b:s4+s22], $0x80, s23, s22, $0xb8;
	[tilespmem:$0x1C200] =	vst v63  }
0x98: {  	_ =	swait.ge [sflag:s29], $0x4000  }
0x99: {  	[sflag:s29] =	ssyncset.done $0x0  }
0x9a: {  	[sflag:s29] =	ssyncadd.s32 $0xFFFFC000  }
0x9b: {  	[spmem:s2] =	stream.indirect.scatter.add.f32 [tilespmem:s20], [sflag:$0x5], $0x80, s22, s22, $0xb8;
	[tilespmem:$0x1C200] =	vst v63  }
0x9c: {  	_ =	swait.ge [sflag:s21], $0x4000  }
0x9d: {  	[sflag:s21] =	ssyncset.done $0x0  }
0x9e: {  	[sflag:s21] =	ssyncadd.s32 $0xFFFFC000  }
0x9f: {  	_ =	swait.ge [sflag:s30], $0x4000  }
0xa0: {  	[sflag:s30] =	ssyncset.done $0x0  }
0xa1: {  	[sflag:s30] =	ssyncadd.s32 $0xFFFFC000  }
0xa2: {  	[spmem:s2] =	stream.indirect.scatter.add.f32 [tilespmem:s28], [sflag:$0x5], $0x80, s24, s22, $0xb8;
	[tilespmem:$0x1C200] =	vst v63  }
0xa3: {  	s0 =	stileid.u32;
	_ =	swait.ge [sflag:s21], $0x4000  }
0xa4: {  	s1 =	sshrl.u32 s5, $0x3;
	s31 =	sadd.s32 $0x1, s31;
	[sflag:s21] =	ssyncset.done $0x0  }
0xa5: {  	s0 =	sshll.u32 s0, $0x6;
	p0 =	sne.s32 s31, s15;
	[sflag:s21] =	ssyncadd.s32 $0xFFFFC000  }
.Ltmp2:
0xa6: {  	s0 =	sor.u32 $0x1C05, s0;
	[bflag:$0x0] =	sbarrier.arrive $0xFFFF;
	(pc) =	sbr.rel @p0 .LBB2_1-.Ltmp2, $4  }
0xa7: {  	[hbm:s14], [sflag:s0] =	dma.local [spmem:s1], $0x2800  }
0xa8: {  	_ =	swait.ge [sflag:s21], $0x2800  }
0xa9: {  	[sflag:s21] =	ssyncset.done $0x0  }
0xaa: {  	[sflag:s21] =	ssyncadd.s32 $0xFFFFD800  }
0xab: {  	_ =	sfence.sel $0x180000  }
0xac: {  	[bflag:$0x0] =	sbarrier.arrive $0xFFFF  }
0xad: {  	_ =	strace $0x9000004D  }
0xae: {  	s0 =	stileid.u32;
	[bflag:$0x2] =	sbarrier.arrive $0xFFFF  }
0xaf: {  	p0 =	sne.s32 s0, $0x0;
	s0 =	rddreg [dreg:$0x3]  }
0xb0: {  	s0 =	sadd.s32 @!p0 $0x100000, s0  }
0xb1: {  	[sflag:s0] =	ssyncadd.tile.s32 @!p0 $0x1;
	_ =	shalt  }
.Lfunc_end2:
_tile_overlayer_lowered:
.L_overlay_start_2:
0xb2: {  	(tag) =	ssettag $0x2  }
0xb3: {  	s0 =	rddreg [dreg:$0x0];
	s2 =	stileid.u32  }
0xb4: {  	s1 =	rddreg [dreg:$0x1];
	p0 =	sne.s32 s2, $0x0  }
0xb5: {  	s3 =	rddreg [dreg:$0x2];
	[bflag:$0x3] =	sbarrier.arrive $0xFFFF;
	s2 =	simm.s32 @!p0 $0x1C05  }
0xb6: {  	[timem:s3], [sflag:s2] =	dma.local @!p0 [hbm:s0], s1  }
0xb7: {  	s0 =	simm.s32 @!p0 $0x5  }
0xb8: {  	_ =	swait.ge @!p0 [sflag:s0], s1  }
0xb9: {  	s1 =	ssub.s32 @!p0 $0x0, s1;
	[sflag:s0] =	ssyncset.done @!p0 $0x0  }
0xba: {  	[sflag:s0] =	ssyncadd.s32 @!p0 s1  }
0xbb: {  	[bflag:$0x3] =	sbarrier.arrive $0xFFFF  }
0xbc: {  	_ =	shalt  }

// kernel: kernel.8.cloned.1.call-start
scs
__scs_entry_jumppad:
0x0: {  	(pc) =	sbr.rel $0x88, $3  }
0x1: {  	(tag) =	ssettag $0x0;
	lr =	simm.s32 $0x1  }
0x2: {  	[smem:$0x3F9B] =	sst lr;
	_ =	strace $0xD0000000  }
0x3: {  	_ = 	snop  }
0x4: {  	_ = 	snop  }
0x5: {  	_ = 	snop  }
0x6: {  	_ = 	snop  }
0x7: {  	_ = 	snop  }
__scs_overlays_trampoline_lowered:
0x8: {  	[smem:$0x3FAA] =	sst s0  }
0x9: {  	[smem:$0x3FAB] =	sst s1  }
0xa: {  	[smem:$0x3FAC] =	sst s2  }
0xb: {  	[smem:$0x3FAD] =	sst s3  }
0xc: {  	[smem:$0x3FAE] =	sst s4  }
0xd: {  	[smem:$0x3FAF] =	sst s5  }
0xe: {  	[smem:$0x3FB0] =	sst s6  }
0xf: {  	[smem:$0x3FB1] =	sst s7  }
0x10: {  	[smem:$0x3FB2] =	sst s8  }
0x11: {  	[smem:$0x3FB3] =	sst s9;
	s0 =	simm.s32 @!p0 $0x0  }
0x12: {  	s1 =	sld [smem:$0x3F99];
	s0 =	simm.s32 @p0 $0x1  }
0x13: {  	[smem:$0x3FB4] =	sst s0;
	s0 =	simm.s32 @!p1 $0x0  }
0x14: {  	s2 =	sld [smem:$0x3F98];
	s0 =	simm.s32 @p1 $0x1  }
0x15: {  	[smem:$0x3FB5] =	sst s0;
	s0 =	simm.s32 @!p2 $0x0  }
0x16: {  	s3 =	sld [smem:$0x3FDB];
	s0 =	simm.s32 @p2 $0x1  }
0x17: {  	s4 =	simm.s32 $0x1BF5;
	[smem:$0x3FB7] =	sst s0  }
0x18: {  	s0 =	sld [smem:$0x3F9A];
	_ =	swait.ge [sflag:s4], $0x0  }
0x19: {  	s7 =	sld [smem:$0x3F9B]  }
0x1a: {  	s8 =	sadd.s32 $0xFFFFE003, lr  }
0x1b: {  	s9 =	sadd.s32 $0xFFFFFEF7, lr;
	s5 =	simm.s32 $0xFFFFFFFF;
	p2 =	slt.u32 s8, $0xFFFFF086  }
0x1c: {  	p1 =	slt.u32 s9, $0xF7A;
	s5 =	simm.s32 @!p2 $0x0  }
0x1d: {  	s5 =	simm.s32 @p1 $0x1;
	p0 =	seq.s32 s7, s2  }
0x1e: {  	s7 =	smul.u32 @!p0 $0xF7A, s2;
	p2 =	seq.s32 @!p0 s5, $0x0  }
0x1f: {  	s9 =	smul.u32 $0xF7A, s1;
	s8 =	simm.s32 @!p0 $0x1BF5;
	p2 =	por !p2, p0  }
0x20: {  	[sflag:s8] =	ssyncset.s32 @!p0 $0xFFFFF086;
	s6 =	sadd.s32 @!p0 s3, s7;
	s7 =	simm.s32 @!p0 $0x108  }
0x21: {  	s3 =	sadd.s32 s3, s9;
	s6 =	sadd.s32 @!p0 $0x88, s6;
	s7 =	simm.s32 @p2 $0x1082  }
0x22: {  	[simem:s7], [sflag:s8] =	dma.local @!p0 [hbm:s6], $0xF7A  }
0x23: {  	s9 =	sor.u32 $0xD0000000, s2;
	s6 =	simm.s32 $0x108;
	_ =	swait.ge @!p0 [sflag:s8], $0x0  }
0x24: {  	s3 =	sadd.s32 $0x88, s3;
	s6 =	simm.s32 @!p1 $0x1082;
	[sflag:s4] =	ssyncset.s32 $0xFFFFF086  }
0x25: {  	[simem:s6], [sflag:s4] =	dma.local [hbm:s3], $0xF7A  }
0x26: {  	[smem:$0x3F9B] =	sst s1;
	(tag) =	ssettag s2;
	_ =	strace s9  }
0x27: {  	s1 =	sld [smem:$0x3FAB]  }
0x28: {  	s2 =	sld [smem:$0x3FAC]  }
0x29: {  	s4 =	sld [smem:$0x3FAE]  }
0x2a: {  	p0 =	seq.s32 s5, $0x0;
	s5 =	sld [smem:$0x3FAF]  }
0x2b: {  	s6 =	sld [smem:$0x3FB0]  }
0x2c: {  	s7 =	sld [smem:$0x3FB1]  }
0x2d: {  	s3 =	simm.s32 $0x108;
	s8 =	sld [smem:$0x3FB2]  }
0x2e: {  	s3 =	simm.s32 @!p0 $0x1082;
	s9 =	sld [smem:$0x3FB3]  }
0x2f: {  	lr =	sadd.s32 s0, s3;
	s0 =	sld [smem:$0x3FAA]  }
0x30: {  	s3 =	sld [smem:$0x3FAD]  }
0x31: {  	[smem:$0x3FB6] =	sst s10  }
0x32: {  	s10 =	sld [smem:$0x3FB4];
	_ =	sdelay $0x3  }
0x33: {  	p0 =	seq.s32 s10, $0x1;
	s10 =	sld [smem:$0x3FB6];
	_ =	sdelay $0x3  }
0x34: {  	[smem:$0x3FB6] =	sst s10  }
0x35: {  	s10 =	sld [smem:$0x3FB5];
	_ =	sdelay $0x3  }
0x36: {  	p1 =	seq.s32 s10, $0x1;
	s10 =	sld [smem:$0x3FB6];
	_ =	sdelay $0x3  }
0x37: {  	[smem:$0x3FB6] =	sst s10  }
0x38: {  	s10 =	sld [smem:$0x3FB7]  }
0x39: {  	_ = 	snop;
	(pc) =	sbr.ind lr, $3  }
0x3a: {  	_ = 	snop  }
0x3b: {  	_ = 	snop  }
0x3c: {  	p2 =	seq.s32 s10, $0x1;
	s10 =	sld [smem:$0x3FB6]  }
0x3d: {  	_ =	shalt  }
0x3e: {  	_ =	shalt  }
0x3f: {  	_ =	shalt  }
0x40: {  	_ =	shalt  }
0x41: {  	_ =	shalt  }
0x42: {  	_ =	shalt  }
0x43: {  	_ =	shalt  }
0x44: {  	_ =	shalt  }
0x45: {  	_ =	shalt  }
0x46: {  	_ =	shalt  }
0x47: {  	_ =	shalt  }
0x48: {  	_ =	shalt  }
0x49: {  	_ =	shalt  }
0x4a: {  	_ =	shalt  }
0x4b: {  	_ =	shalt  }
0x4c: {  	_ =	shalt  }
0x4d: {  	_ =	shalt  }
0x4e: {  	_ =	shalt  }
0x4f: {  	_ =	shalt  }
0x50: {  	_ =	shalt  }
0x51: {  	_ =	shalt  }
0x52: {  	_ =	shalt  }
0x53: {  	_ =	shalt  }
0x54: {  	_ =	shalt  }
0x55: {  	_ =	shalt  }
0x56: {  	_ =	shalt  }
0x57: {  	_ =	shalt  }
0x58: {  	_ =	shalt  }
0x59: {  	_ =	shalt  }
0x5a: {  	_ =	shalt  }
0x5b: {  	_ =	shalt  }
0x5c: {  	_ =	shalt  }
0x5d: {  	_ =	shalt  }
0x5e: {  	_ =	shalt  }
0x5f: {  	_ =	shalt  }
0x60: {  	_ =	shalt  }
0x61: {  	_ =	shalt  }
0x62: {  	_ =	shalt  }
0x63: {  	_ =	shalt  }
0x64: {  	_ =	shalt  }
0x65: {  	_ =	shalt  }
0x66: {  	_ =	shalt  }
0x67: {  	_ =	shalt  }
0x68: {  	_ =	shalt  }
0x69: {  	_ =	shalt  }
0x6a: {  	_ =	shalt  }
0x6b: {  	_ =	shalt  }
0x6c: {  	_ =	shalt  }
0x6d: {  	_ =	shalt  }
0x6e: {  	_ =	shalt  }
0x6f: {  	_ =	shalt  }
0x70: {  	_ =	shalt  }
0x71: {  	_ =	shalt  }
0x72: {  	_ =	shalt  }
0x73: {  	_ =	shalt  }
0x74: {  	_ =	shalt  }
0x75: {  	_ =	shalt  }
0x76: {  	_ =	shalt  }
0x77: {  	_ =	shalt  }
0x78: {  	_ =	shalt  }
0x79: {  	_ =	shalt  }
0x7a: {  	_ =	shalt  }
0x7b: {  	_ =	shalt  }
0x7c: {  	_ =	shalt  }
0x7d: {  	_ =	shalt  }
0x7e: {  	_ =	shalt  }
0x7f: {  	_ =	shalt  }
0x80: {  	_ =	shalt  }
0x81: {  	_ =	shalt  }
0x82: {  	_ =	shalt  }
0x83: {  	_ =	shalt  }
0x84: {  	_ =	shalt  }
0x85: {  	_ =	shalt  }
0x86: {  	_ =	shalt  }
0x87: {  	_ =	shalt  }
.Lfunc_end0:
.L_simem_size_0:
called_computation_lowered:
.L_overlay_start_0:
0x88: {  	s2 =	sld [smem:$0x3FD9]  }
0x89: {  	s3 =	sld [smem:$0x3FFE];
	_ =	sdelay $0x1  }
0x8a: {  	s1 =	srdreg.scid  }
0x8b: {  	s0 =	sand.u32 $0x1, s1  }
0x8c: {  	s16 =	sshll.u32 s0, $0xA;
	s2 =	sadd.s32 s3, s2  }
0x8d: {  	s2 =	sadd.s32 s2, s16  }
0x8e: {  	[smem:$0x3FC2] =	sst s2  }
0x8f: {  	_ = 	snop  }
0x90: {  	(tm) =	ssettm $0x1  }
0x91: {  	s17 =	sld [smem:$0x3FFB];
	_ =	sdelay $0x3  }
0x92: {  	_ =	strace s17  }
0x93: {  	s2 =	sld [smem:$0x3FFC];
	_ =	sdelay $0x3  }
0x94: {  	_ =	strace s2  }
0x95: {  	s2 =	sld [smem:$0x3FFD];
	_ =	sdelay $0x3  }
0x96: {  	_ =	strace s2  }
0x97: {  	_ =	strace $0x8FFFFFFF  }
0x98: {  	s18 =	sld [smem:$0x3FDB];
	_ =	sdelay $0x1  }
0x99: {  	s19 =	simm.s32 $_scs_section_size  }
0x9a: {  	s4 =	simm.s32 $_size__tile_overlayer_lowered;
	s5 =	simm.s32 $_tile_overlayer_lowered  }
0x9b: {  	s22 =	simm.s32 $0x1BFF;
	s21 =	sshll.u32 s5, $0x1;
	s2 =	sadd.s32 s19, s18  }
0x9c: {  	s6 =	simm.s32 $0x0;
	s20 =	sshll.u32 s4, $0x1;
	s4 =	sadd.s32 s21, s2  }
0x9d: {  	[timem:s6], [sflag:s22] =	dma.local [hbm:s4], s20  }
0x9e: {  	_ =	swait.ge [sflag:s22], s20  }
0x9f: {  	s3 =	ssub.s32 $0x0, s20;
	[sflag:s22] =	ssyncset.done $0x0  }
0xa0: {  	[sflag:s22] =	ssyncadd.s32 s3;
	_ =	sdelay $0x1  }
0xa1: {  	s23 =	simm.s32 $0x1B8B  }
0xa2: {  	_ =	swait.ge [sflag:s23], $0x1  }
0xa3: {  	[sflag:s23] =	ssyncset.done $0x0  }
0xa4: {  	s25 =	simm.s32 $0x1B8E;
	s24 =	sld [smem:$0x3FFE];
	[sflag:s23] =	ssyncadd.s32 $0xFFFFFFFF  }
0xa5: {  	s26 =	simm.s32 $execute0_lowered;
	[smem:$0x3FD2] =	sst s25  }
0xa6: {  	s4 =	sshll.u32 s26, $0x1;
	_ =	strace $0x80000046;
	[dreg:$0x1] =	wrdreg $0xFFFFFFFF  }
0xa7: {  	s28 =	simm.s32 $_size_execute0_lowered;
	s2 =	sadd.s32 s2, s4;
	[dreg:$0x0] =	wrdreg $0x0  }
0xa8: {  	s4 =	sshll.u32 s28, $0x1;
	[dreg:$0x2] =	wrdreg s2  }
0xa9: {  	[dreg:$0x3] =	wrdreg s4  }
0xaa: {  	[dreg:$0x4] =	wrdreg $0xC0  }
0xab: {  	_ =	task [dreg:s6], $0x5FFFF  }
0xac: {  	[dreg:$0x1] =	wrdreg $0xFFFFFFFF  }
0xad: {  	[dreg:$0x0] =	wrdreg $0x60  }
0xae: {  	[dreg:$0x2] =	wrdreg s24  }
0xaf: {  	[dreg:$0x3] =	wrdreg $0x29000  }
0xb0: {  	[dreg:$0x4] =	wrdreg $0x9  }
0xb1: {  	_ =	task.clear_ibuf [dreg:s6], $0x5FFFF;
	_ =	strace $0x90000046  }
0xb2: {  	s29 =	simm.s32 $0x9;
	_ =	strace $0x80000048  }
0xb3: {  	_ =	swait.ge [sflag:s29], $0x1  }
0xb4: {  	[sflag:s29] =	ssyncadd.s32 $0xFFFFFFFF  }
0xb5: {  	_ =	strace $0x90000048  }
0xb6: {  	_ =	sfence  }
0xb7: {  	s30 =	sld [smem:$0x0];
	_ =	sdelay $0x2  }
0xb8: {  	s31 =	sshll.u32 s1, $0xD;
	s1 =	sshrl.u32 s1, $0x2  }
0xb9: {  	s3 =	sand.u32 $0x4000, s31;
	s1 =	sadd.s32 s1, s30  }
0xba: {  	s0 =	sor.u32 s3, s0;
	s1 =	sshll.u32 s1, $0x11  }
0xbb: {  	s0 =	sor.u32 s1, s0  }
0xbc: {  	s0 =	sadd.s32 $0x8F2B, s0  }
0xbd: {  	[sflag:s0] =	ssyncadd.remote.s32 $0x1  }
0xbe: {  	_ =	sfence.sel $0xFFFF  }
0xbf: {  	[dreg:$0x0] =	wrdreg $0xFFFFFFFF;
	(pc) =	sbr.abs _section_cstart, $3  }
0xc0: {  	[dreg:$0x1] =	wrdreg $0xFFFFFFFF  }
0xc1: {  	_ =	task.clear_ibuf [dreg:s6], $0x2FFFF;
	_ =	strace $0x9FFFFFFF  }
0xc2: {  	(tm) =	ssettm $0x7FFFFFFF  }
0xc3: {  	_ =	shalt  }
tec
execute0_lowered:
.L_overlay_start_1:
0x0: {  	(tag) =	ssettag $0x1  }
0x1: {  	s1 =	srdreg.scid  }
0x2: {  	s0 =	stileid.u32;
	s4 =	rddreg [dreg:$0x0]  }
0x3: {  	s2 =	rddreg [dreg:$0x1];
	s3 =	simm.s32 $0x0;
	s13 =	simm.s32 $0x2  }
0x4: {  	s14 =	simm.s32 $0x80;
	s15 =	simm.s32 $0x2800;
	s16 =	simm.s32 $0x1  }
0x5: {  	s19 =	simm.s32 $0x20;
	s20 =	simm.s32 $0x10;
	s21 =	simm.s32 $0x0  }
0x6: {  	s5 =	sand.u32 $0x1, s1;
	s1 =	rddreg [dreg:$0x2];
	s7 =	smul.u32 $0x500, s0  }
0x7: {  	s28 =	sshll.u32 s0, $0x1;
	[smem:$0x7FF] =	sst s3;
	s9 =	smul.u32 $0xA00, s0  }
0x8: {  	s17 =	sshll.u32 s0, $0x6;
	s6 =	sor.u32 s5, s28;
	_ =	strace $0x80000047  }
0x9: {  	s8 =	sshll.u32 s5, $0x7;
	s5 =	ssub.s32 $0x2, s5;
	s6 =	smul.u32 $0x500, s6  }
0xa: {  	s17 =	sor.u32 $0x1C02, s17;
	s29 =	sor.u32 s8, s7;
	s30 =	sshrl.u32 s5, $0x1  }
0xb: {  	s31 =	sshrl.u32 s9, $0x2;
	s10 =	sadd.s32 s6, s4;
	s6 =	sshrl.u32 s29, $0x3  }
0xc: {  	s12 =	ssub.s32 s5, s30;
	s11 =	sadd.s32 s6, s4;
	s4 =	sadd.s32 s31, s2  }
0xd: {  	s9 =	sadd.s32 $0x2A00, s10;
	s5 =	sadd.s32 $0x80, s4;
	s6 =	sadd.s32 $0x100, s4  }
0xe: {  	s7 =	sadd.s32 $0x180, s4;
	s8 =	sadd.s32 $0x200, s4;
	s10 =	sadd.s32 $0xCA00, s11  }
0xf: {  	v0 =	vimm.f32 $1.000000000e+00;
	v1 =	vimm.f32 $0.0e+00;
	s11 =	smax.u32 s12, $0x1;
	s12 =	simm.s32 $0x2880;
	s18 =	sshrl.u32 s4, $0x3  }
.LBB2_1:
0x10: {  	[tilespmem:$0x2800] =	vst v0  }
0x11: {  	[tilespmem:$0x2810] =	vst v0  }
0x12: {  	[tilespmem:$0x2820] =	vst v0  }
0x13: {  	[tilespmem:$0x2830] =	vst v0  }
0x14: {  	[tilespmem:$0x2840] =	vst v0  }
0x15: {  	[tilespmem:$0x2850] =	vst v0  }
0x16: {  	[tilespmem:$0x2860] =	vst v0  }
0x17: {  	[tilespmem:$0x2870] =	vst v0  }
0x18: {  	[tilespmem:$0x2880] =	vst v1  }
0x19: {  	[tilespmem:$0x2890] =	vst v1  }
0x1a: {  	[tilespmem:$0x28A0] =	vst v1  }
0x1b: {  	[tilespmem:$0x28B0] =	vst v1  }
0x1c: {  	[tilespmem:$0x28C0] =	vst v1  }
0x1d: {  	[tilespmem:$0x28D0] =	vst v1  }
0x1e: {  	[tilespmem:$0x28E0] =	vst v1  }
0x1f: {  	[tilespmem:$0x28F0] =	vst v1  }
0x20: {  	[spmem:s4] =	stream.linear.scatter [tilespmem:s12], [sflag:$0x2], $0x80, $0x38;
	[tilespmem:$0x2B80] =	vst v63  }
0x21: {  	_ =	swait.ge [sflag:s13], $0x80  }
0x22: {  	[sflag:s13] =	ssyncset.done $0x0  }
0x23: {  	[sflag:s13] =	ssyncadd.s32 $0xFFFFFF80  }
0x24: {  	[spmem:s5] =	stream.linear.scatter [tilespmem:s12], [sflag:$0x2], $0x80, $0x38;
	[tilespmem:$0x2B80] =	vst v63  }
0x25: {  	_ =	swait.ge [sflag:s13], $0x80  }
0x26: {  	[sflag:s13] =	ssyncset.done $0x0  }
0x27: {  	[sflag:s13] =	ssyncadd.s32 $0xFFFFFF80  }
0x28: {  	[spmem:s6] =	stream.linear.scatter [tilespmem:s12], [sflag:$0x2], $0x80, $0x38;
	[tilespmem:$0x2B80] =	vst v63  }
0x29: {  	_ =	swait.ge [sflag:s13], $0x80  }
0x2a: {  	[sflag:s13] =	ssyncset.done $0x0  }
0x2b: {  	[sflag:s13] =	ssyncadd.s32 $0xFFFFFF80  }
0x2c: {  	[spmem:s7] =	stream.linear.scatter [tilespmem:s12], [sflag:$0x2], $0x80, $0x38;
	[tilespmem:$0x2B80] =	vst v63  }
0x2d: {  	_ =	swait.ge [sflag:s13], $0x80  }
0x2e: {  	[sflag:s13] =	ssyncset.done $0x0  }
0x2f: {  	[sflag:s13] =	ssyncadd.s32 $0xFFFFFF80  }
0x30: {  	[spmem:s8] =	stream.linear.scatter [tilespmem:s12], [sflag:$0x2], $0x80, $0x38;
	[tilespmem:$0x2B80] =	vst v63  }
0x31: {  	_ =	swait.ge [sflag:s13], $0x80  }
0x32: {  	[sflag:s13] =	ssyncset.done $0x0  }
0x33: {  	[sflag:s13] =	ssyncadd.s32 $0xFFFFFF80  }
0x34: {  	[tilespmem:s3], [sflag:$0x2] =	stream.linear.gather [hbm4b:s9+s3], $0x2800, $0x38;
	[tilespmem:$0x2B80] =	vst v63  }
0x35: {  	_ =	swait.ge [sflag:s13], $0x2800  }
0x36: {  	[sflag:s13] =	ssyncset.done $0x0  }
0x37: {  	[sflag:s13] =	ssyncadd.s32 $0xFFFFD800  }
0x38: {  	s22 =	simm.s32 $0x200;
	s23 =	simm.s32 $0x0;
	[bflag:$0x0] =	sbarrier.arrive $0xFFFF  }
.LBB2_2:
0x39: {  	[spmem:s2] =	stream.indirect.scatter.add.f32 [tilespmem:s15], [sflag:$0x1], $0x1, s23, s14, $0xb8;
	[tilespmem:$0x2B80] =	vst v63  }
0x3a: {  	s23 =	smov.u32 s22;
	p0 =	sne.s32 s22, $0x9E00  }
.Ltmp0:
0x3b: {  	s22 =	sadd.s32 $0x200, s22;
	(pc) =	sbr.rel @p0 .LBB2_2-.Ltmp0, $2  }
0x3c: {  	_ =	sdelay $0x2  }
0x3d: {  	s23 =	sshra.s32 s23, $0x2  }
0x3e: {  	[spmem:s2] =	stream.indirect.scatter.add.f32 [tilespmem:s15], [sflag:$0x1], $0x1, s23, s14, $0xb8;
	[tilespmem:$0x2B80] =	vst v63  }
0x3f: {  	_ =	swait.ge [sflag:s16], $0x2800  }
0x40: {  	s21 =	sadd.s32 $0x1, s21;
	[sflag:s16] =	ssyncset.done $0x0  }
0x41: {  	p0 =	sne.s32 s21, s11;
	[sflag:s16] =	ssyncadd.s32 $0xFFFFD800  }
.Ltmp1:
0x42: {  	[bflag:$0x0] =	sbarrier.arrive $0xFFFF;
	(pc) =	sbr.rel @p0 .LBB2_1-.Ltmp1, $4  }
0x43: {  	[hbm:s10@s19], [sflag:s17] =	dma.strided [spmem:s18@s20], $0x50, s16, $0x10   }
0x44: {  	_ =	swait.ge [sflag:s13], $0x50  }
0x45: {  	[sflag:s13] =	ssyncset.done $0x0  }
0x46: {  	[sflag:s13] =	ssyncadd.s32 $0xFFFFFFB0  }
0x47: {  	_ =	sfence.sel $0x180000  }
0x48: {  	[bflag:$0x0] =	sbarrier.arrive $0xFFFF  }
0x49: {  	p0 =	sne.s32 s0, $0x0;
	_ =	strace $0x90000047  }
0x4a: {  	s0 =	sadd.s32 @!p0 $0x100000, s1;
	[bflag:$0x2] =	sbarrier.arrive $0xFFFF  }
0x4b: {  	[sflag:s0] =	ssyncadd.tile.s32 @!p0 $0x1;
	_ =	shalt  }
.Lfunc_end2:
_tile_overlayer_lowered:
.L_overlay_start_2:
0x4c: {  	(tag) =	ssettag $0x2  }
0x4d: {  	s0 =	rddreg [dreg:$0x0];
	s2 =	stileid.u32  }
0x4e: {  	s1 =	rddreg [dreg:$0x1];
	p0 =	sne.s32 s2, $0x0  }
0x4f: {  	s3 =	rddreg [dreg:$0x2];
	[bflag:$0x3] =	sbarrier.arrive $0xFFFF;
	s2 =	simm.s32 @!p0 $0x1C02  }
0x50: {  	[timem:s3], [sflag:s2] =	dma.local @!p0 [hbm:s0], s1  }
0x51: {  	s0 =	simm.s32 @!p0 $0x2  }
0x52: {  	_ =	swait.ge @!p0 [sflag:s0], s1  }
0x53: {  	s1 =	ssub.s32 @!p0 $0x0, s1;
	[sflag:s0] =	ssyncset.done @!p0 $0x0  }
0x54: {  	[sflag:s0] =	ssyncadd.s32 @!p0 s1  }
0x55: {  	[bflag:$0x3] =	sbarrier.arrive $0xFFFF  }
0x56: {  	_ =	shalt  }

</sc_bundles>
